<compile_context>
chip_gen: v7x
topology: tpu7x:2x2x1
jax: 0.10.2.dev20260603
libtpu: 0.0.44.dev20260713+nightly
codegen_flags: <defaults>
</compile_context>

<pallas_src>
import functools

import jax
import jax.numpy as jnp
from jax import lax
from jax.experimental import pallas as pl
from jax.experimental.pallas import tpu as pltpu
from jax.experimental.pallas import tpu_sc as plsc

D_MODEL = 36
N_ROWS = 32768
NW = 32
ROWS_W = N_ROWS // NW
CHUNK_W = ROWS_W * D_MODEL
GROUPS = ROWS_W // 16

_mesh = plsc.VectorSubcoreMesh(core_axis_name="c", subcore_axis_name="s")


def _wid():
    return lax.axis_index("s") * 2 + lax.axis_index("c")


def _rne(x):
    u = plsc.bitcast(x, jnp.uint32)
    u = u + jnp.uint32(0x7FFF) + ((u >> jnp.uint32(16)) & jnp.uint32(1))
    u = u & jnp.uint32(0xFFFF0000)
    return plsc.bitcast(u, jnp.float32)


@functools.partial(
    pl.kernel,
    out_type=[
        jax.ShapeDtypeStruct((NW, 16), jnp.float32),
        jax.ShapeDtypeStruct((NW, 16), jnp.int32),
    ],
    mesh=_mesh,
    compiler_params=pltpu.CompilerParams(needs_layout_passes=False),
    scratch_types=[
        pltpu.VMEM((CHUNK_W,), jnp.float32),
        pltpu.VMEM((64,), jnp.float32),
        pltpu.VMEM((128,), jnp.float32),
        pltpu.VMEM((128,), jnp.float32),
        pltpu.VMEM((16,), jnp.float32),
        pltpu.VMEM((16,), jnp.int32),
        pltpu.SemaphoreType.DMA,
    ],
)
def _stage1(qe_h, wq_h, wk_h, m_h, osc_h, oid_h,
            m_v, qe_v, wq_v, wk_v, bs_v, bi_v, sem):
    wid = _wid()
    base = wid * CHUNK_W
    cp = pltpu.async_copy(m_h.at[pl.ds(base, CHUNK_W)], m_v, sem)
    pltpu.sync_copy(qe_h, qe_v)
    pltpu.sync_copy(wq_h, wq_v)
    pltpu.sync_copy(wk_h, wk_v)

    q0 = jnp.float32(0.0)
    q1 = jnp.float32(0.0)
    for t in range(3):
        qe_t = _rne(qe_v[pl.ds(16 * t, 16)])
        p0 = _rne(wq_v[pl.ds(16 * t, 16)]) * qe_t
        p1 = _rne(wq_v[pl.ds(64 + 16 * t, 16)]) * qe_t
        for l in range(16):
            q0 = q0 + p0[l]
            q1 = q1 + p1[l]
    q0b = _rne(jnp.full((16,), q0, jnp.float32))[0]
    q1b = _rne(jnp.full((16,), q1, jnp.float32))[0]
    wkb = [_rne(wk_v[pl.ds(16 * t, 16)]) for t in range(3)]
    wkb2 = [_rne(wk_v[pl.ds(64 + 16 * t, 16)]) for t in range(3)]
    wk0 = [wkb[d // 16][d % 16] for d in range(D_MODEL)]
    wk1 = [wkb2[d // 16][d % 16] for d in range(D_MODEL)]

    iota = lax.iota(jnp.int32, 16)
    cp.wait()

    def rpass(t, _):
        for u in range(8):
            off = t * 128 + u * 16
            m_v[pl.ds(off, 16)] = _rne(m_v[pl.ds(off, 16)])
        return 0
    lax.fori_loop(0, CHUNK_W // 128, rpass, 0)

    def group(g, carry):
        bv, bi = carry
        rowv = g * 16 + iota
        idx0 = rowv * D_MODEL
        a0 = jnp.zeros((16,), jnp.float32)
        a1 = jnp.zeros((16,), jnp.float32)
        for d in range(D_MODEL):
            gv = plsc.load_gather(m_v, [idx0 + d])
            a0 = a0 + gv * wk0[d]
            a1 = a1 + gv * wk1[d]
        acc = _rne(a0) * q0b + _rne(a1) * q1b
        upd = acc > bv
        bv = jnp.where(upd, acc, bv)
        bi = jnp.where(upd, wid * ROWS_W + rowv, bi)
        return bv, bi

    bv0 = jnp.full((16,), -jnp.inf, jnp.float32)
    bi0 = jnp.zeros((16,), jnp.int32)
    bv, bi = lax.fori_loop(0, GROUPS, group, (bv0, bi0))

    bs_v[...] = bv
    bi_v[...] = bi
    pltpu.sync_copy(bs_v, osc_h.at[wid])
    pltpu.sync_copy(bi_v, oid_h.at[wid])


def _merge_body(osc_ref, oid_ref, wv_ref, m_ref,
                val_ref, sco_ref, idx_ref, row_v, sem):
    s = osc_ref[...]
    i = oid_ref[...]
    mx = jnp.max(s)
    best = jnp.min(jnp.where(s == mx, i, N_ROWS))

    cp = pltpu.make_async_copy(m_ref.at[pl.ds(best, 1), :], row_v, sem)
    cp.start()
    cp.wait()

    rb = row_v[...].astype(jnp.bfloat16).astype(jnp.float32)
    wb = wv_ref[...].astype(jnp.bfloat16).astype(jnp.float32)
    val_ref[...] = jnp.sum(rb * wb, axis=1, keepdims=True)
    sco_ref[...] = jnp.full((1, 1), mx, jnp.float32)
    idx_ref[...] = jnp.full((1, 1), best, jnp.int32)


@jax.jit
def kernel(query_emb, memory_embs, W_Q, W_K, W_V):
    f32 = jnp.float32
    qe = jnp.zeros((64,), f32).at[:D_MODEL].set(query_emb)
    wq = jnp.zeros((2, 64), f32).at[:, :D_MODEL].set(W_Q).reshape(128)
    wk = jnp.zeros((2, 64), f32).at[:, :D_MODEL].set(W_K).reshape(128)
    m_flat = memory_embs.reshape(N_ROWS * D_MODEL)

    osc, oid = _stage1(qe, wq, wk, m_flat)

    val, sco, idx = pl.pallas_call(
        _merge_body,
        in_specs=[
            pl.BlockSpec((NW, 16), lambda: (0, 0)),
            pl.BlockSpec((NW, 16), lambda: (0, 0)),
            pl.BlockSpec((1, D_MODEL), lambda: (0, 0)),
            pl.BlockSpec(memory_space=pl.ANY),
        ],
        out_specs=[
            pl.BlockSpec((1, 1), lambda: (0, 0)),
            pl.BlockSpec((1, 1), lambda: (0, 0)),
            pl.BlockSpec((1, 1), lambda: (0, 0)),
        ],
        out_shape=[
            jax.ShapeDtypeStruct((1, 1), jnp.float32),
            jax.ShapeDtypeStruct((1, 1), jnp.float32),
            jax.ShapeDtypeStruct((1, 1), jnp.int32),
        ],
        scratch_shapes=[
            pltpu.VMEM((1, D_MODEL), jnp.float32),
            pltpu.SemaphoreType.DMA,
        ],
    )(osc, oid, W_V, memory_embs)
    return (val.reshape(1), sco[0, 0], idx[0, 0])

# --- scband reference (transcript-rebuilt; emitter-appended) ---
"""Pipeline reference for scband-compiled-attention-head-16441134809181 (READ-ONLY COPY).

The authoritative reference and input builder live on the scoring server;
editing this copy changes nothing except your own understanding.
"""

import jax, jax.numpy as jnp
import numpy as np

D_MODEL = 36
HEAD_DIM = 2
V_DIM = 1
N = 32768


def setup_inputs(seed: int = 0) -> dict:
    key = jax.random.key(seed)
    k1, k2, k3, k4, k5 = jax.random.split(key, 5)
    query_emb = jax.random.normal(k1, (D_MODEL,), dtype=jnp.float32)
    memory_embs = jax.random.normal(k2, (N, D_MODEL), dtype=jnp.float32)
    scale = 1.0 / np.sqrt(D_MODEL)
    W_Q = jax.random.normal(k3, (HEAD_DIM, D_MODEL), dtype=jnp.float32) * scale
    W_K = jax.random.normal(k4, (HEAD_DIM, D_MODEL), dtype=jnp.float32) * scale
    W_V = jax.random.normal(k5, (V_DIM, D_MODEL), dtype=jnp.float32) * scale
    return {"query_emb": query_emb, "memory_embs": memory_embs, "W_Q": W_Q, "W_K": W_K, "W_V": W_V}


def reference(query_emb, memory_embs, W_Q, W_K, W_V):
    # q = W_Q @ query_emb  -> (head_dim,)
    q = W_Q @ query_emb
    # K = W_K @ memory_embs (applied rowwise) -> (N, head_dim)
    K = memory_embs @ W_K.T
    # V = W_V @ memory_embs (applied rowwise) -> (N, v_dim)
    V = memory_embs @ W_V.T
    # hard-max attention scores -> (N,)
    scores = K @ q
    best = jnp.argmax(scores)
    value = jnp.take(V, best, axis=0)  # (v_dim,)
    score = jnp.take(scores, best)     # scalar
    return (value, score, best)

if __name__ == "__main__":
    import jax
    _d = setup_inputs()
    print(jax.jit(kernel)(*tuple(_d.values())))

</pallas_src>

<mosaic_0001>
#map = affine_map<(d0, d1) -> (0)>
#map1 = affine_map<(d0, d1) -> (0, 0)>
module attributes {stable_mosaic.version = 14 : i64} {
  func.func @_stage1(%arg0: i32, %arg1: i32, %arg2: memref<64xf32, #tpu.memory_space<hbm>>, %arg3: memref<128xf32, #tpu.memory_space<hbm>>, %arg4: memref<128xf32, #tpu.memory_space<hbm>>, %arg5: memref<1179648xf32, #tpu.memory_space<hbm>>, %arg6: memref<32x16xf32, #tpu.memory_space<hbm>>, %arg7: memref<32x16xi32, #tpu.memory_space<hbm>>, %arg8: memref<36864xf32, #tpu.memory_space<vmem>>, %arg9: memref<64xf32, #tpu.memory_space<vmem>>, %arg10: memref<128xf32, #tpu.memory_space<vmem>>, %arg11: memref<128xf32, #tpu.memory_space<vmem>>, %arg12: memref<16xf32, #tpu.memory_space<vmem>>, %arg13: memref<16xi32, #tpu.memory_space<vmem>>, %arg14: memref<!tpu.dma_semaphore, #tpu.memory_space<semaphore_mem>>) attributes {dimension_semantics = [#tpu.dimension_semantics<core_parallel>, #tpu.dimension_semantics<subcore_parallel>], iteration_bounds = array<i64: 2, 16>, scalar_prefetch = 0 : i64, scratch_operands = 7 : i64, tpu.core_type = #tpu.core_type<sc_vector_subcore>, window_params = [{transform_indices = #map}, {transform_indices = #map}, {transform_indices = #map}, {transform_indices = #map}, {transform_indices = #map1}, {transform_indices = #map1}]} {
    %mul3A = arith.constant 2 : i32
    %mul3A_0 = arith.muli %arg1, %mul3A : i32
    %add3A = arith.addi %mul3A_0, %arg0 : i32
    %mul3A_1 = arith.constant 36864 : i32
    %mul3A_2 = arith.muli %add3A, %mul3A_1 : i32
    %dma_start3A = tpu.memref_slice %arg5[%mul3A_2] : memref<1179648xf32, #tpu.memory_space<hbm>> -> memref<36864xf32, #tpu.memory_space<hbm>>
    %dma_start3A_3 = tpu.memref_slice %arg5[%mul3A_2] : memref<1179648xf32, #tpu.memory_space<hbm>> -> memref<36864xf32, #tpu.memory_space<hbm>>
    tpu.enqueue_dma source(%dma_start3A_3 : memref<36864xf32, #tpu.memory_space<hbm>>) target(%arg8 : memref<36864xf32, #tpu.memory_space<vmem>>) target_semaphore(%arg14 : memref<!tpu.dma_semaphore, #tpu.memory_space<semaphore_mem>>)
    "tpu.region"() ({
      %run_scoped3A = tpu.sem_alloc : memref<!tpu.dma_semaphore, #tpu.memory_space<semaphore_mem>>
      tpu.enqueue_dma source(%arg2 : memref<64xf32, #tpu.memory_space<hbm>>) target(%arg9 : memref<64xf32, #tpu.memory_space<vmem>>) target_semaphore(%run_scoped3A : memref<!tpu.dma_semaphore, #tpu.memory_space<semaphore_mem>>)
      tpu.wait_dma2 semaphore(%run_scoped3A : memref<!tpu.dma_semaphore, #tpu.memory_space<semaphore_mem>>) src(%arg2 : memref<64xf32, #tpu.memory_space<hbm>>) dst(%arg9 : memref<64xf32, #tpu.memory_space<vmem>>)
      tpu.yield
    }) : () -> ()
    "tpu.region"() ({
      %run_scoped3A = tpu.sem_alloc : memref<!tpu.dma_semaphore, #tpu.memory_space<semaphore_mem>>
      tpu.enqueue_dma source(%arg3 : memref<128xf32, #tpu.memory_space<hbm>>) target(%arg10 : memref<128xf32, #tpu.memory_space<vmem>>) target_semaphore(%run_scoped3A : memref<!tpu.dma_semaphore, #tpu.memory_space<semaphore_mem>>)
      tpu.wait_dma2 semaphore(%run_scoped3A : memref<!tpu.dma_semaphore, #tpu.memory_space<semaphore_mem>>) src(%arg3 : memref<128xf32, #tpu.memory_space<hbm>>) dst(%arg10 : memref<128xf32, #tpu.memory_space<vmem>>)
      tpu.yield
    }) : () -> ()
    "tpu.region"() ({
      %run_scoped3A = tpu.sem_alloc : memref<!tpu.dma_semaphore, #tpu.memory_space<semaphore_mem>>
      tpu.enqueue_dma source(%arg4 : memref<128xf32, #tpu.memory_space<hbm>>) target(%arg11 : memref<128xf32, #tpu.memory_space<vmem>>) target_semaphore(%run_scoped3A : memref<!tpu.dma_semaphore, #tpu.memory_space<semaphore_mem>>)
      tpu.wait_dma2 semaphore(%run_scoped3A : memref<!tpu.dma_semaphore, #tpu.memory_space<semaphore_mem>>) src(%arg4 : memref<128xf32, #tpu.memory_space<hbm>>) dst(%arg11 : memref<128xf32, #tpu.memory_space<vmem>>)
      tpu.yield
    }) : () -> ()
    %get3A = arith.constant 0 : index
    %get3A_4 = tpu.vector_load %arg9[%get3A] {strides = array<i32>} : memref<64xf32, #tpu.memory_space<vmem>>, vector<16xf32>,
    %bitcast3A = vector.bitcast %get3A_4 : vector<16xf32> to vector<16xi32>
    %add3A_5 = arith.constant 32767 : i32
    %add3A_6 = vector.broadcast %add3A_5 : i32 to vector<16xi32>
    %add3A_7 = arith.addi %bitcast3A, %add3A_6 : vector<16xi32>
    %shift_right_logical3A = arith.constant 16 : i32
    %shift_right_logical3A_8 = vector.broadcast %shift_right_logical3A : i32 to vector<16xi32>
    %shift_right_logical3A_9 = arith.shrui %bitcast3A, %shift_right_logical3A_8 : vector<16xi32>
    %and3A = arith.constant 1 : i32
    %and3A_10 = vector.broadcast %and3A : i32 to vector<16xi32>
    %and3A_11 = arith.andi %shift_right_logical3A_9, %and3A_10 : vector<16xi32>
    %add3A_12 = arith.addi %add3A_7, %and3A_11 : vector<16xi32>
    %and3A_13 = arith.constant -65536 : i32
    %and3A_14 = vector.broadcast %and3A_13 : i32 to vector<16xi32>
    %and3A_15 = arith.andi %add3A_12, %and3A_14 : vector<16xi32>
    %bitcast3A_16 = vector.bitcast %and3A_15 : vector<16xi32> to vector<16xf32>
    %get3A_17 = arith.constant 0 : index
    %get3A_18 = tpu.vector_load %arg10[%get3A_17] {strides = array<i32>} : memref<128xf32, #tpu.memory_space<vmem>>, vector<16xf32>,
    %bitcast3A_19 = vector.bitcast %get3A_18 : vector<16xf32> to vector<16xi32>
    %add3A_20 = arith.constant 32767 : i32
    %add3A_21 = vector.broadcast %add3A_20 : i32 to vector<16xi32>
    %add3A_22 = arith.addi %bitcast3A_19, %add3A_21 : vector<16xi32>
    %shift_right_logical3A_23 = arith.constant 16 : i32
    %shift_right_logical3A_24 = vector.broadcast %shift_right_logical3A_23 : i32 to vector<16xi32>
    %shift_right_logical3A_25 = arith.shrui %bitcast3A_19, %shift_right_logical3A_24 : vector<16xi32>
    %and3A_26 = arith.constant 1 : i32
    %and3A_27 = vector.broadcast %and3A_26 : i32 to vector<16xi32>
    %and3A_28 = arith.andi %shift_right_logical3A_25, %and3A_27 : vector<16xi32>
    %add3A_29 = arith.addi %add3A_22, %and3A_28 : vector<16xi32>
    %and3A_30 = arith.constant -65536 : i32
    %and3A_31 = vector.broadcast %and3A_30 : i32 to vector<16xi32>
    %and3A_32 = arith.andi %add3A_29, %and3A_31 : vector<16xi32>
    %bitcast3A_33 = vector.bitcast %and3A_32 : vector<16xi32> to vector<16xf32>
    %mul3A_34 = arith.mulf %bitcast3A_33, %bitcast3A_16 : vector<16xf32>
    %get3A_35 = arith.constant 64 : index
    %get3A_36 = tpu.vector_load %arg10[%get3A_35] {strides = array<i32>} : memref<128xf32, #tpu.memory_space<vmem>>, vector<16xf32>,
    %bitcast3A_37 = vector.bitcast %get3A_36 : vector<16xf32> to vector<16xi32>
    %add3A_38 = arith.constant 32767 : i32
    %add3A_39 = vector.broadcast %add3A_38 : i32 to vector<16xi32>
    %add3A_40 = arith.addi %bitcast3A_37, %add3A_39 : vector<16xi32>
    %shift_right_logical3A_41 = arith.constant 16 : i32
    %shift_right_logical3A_42 = vector.broadcast %shift_right_logical3A_41 : i32 to vector<16xi32>
    %shift_right_logical3A_43 = arith.shrui %bitcast3A_37, %shift_right_logical3A_42 : vector<16xi32>
    %and3A_44 = arith.constant 1 : i32
    %and3A_45 = vector.broadcast %and3A_44 : i32 to vector<16xi32>
    %and3A_46 = arith.andi %shift_right_logical3A_43, %and3A_45 : vector<16xi32>
    %add3A_47 = arith.addi %add3A_40, %and3A_46 : vector<16xi32>
    %and3A_48 = arith.constant -65536 : i32
    %and3A_49 = vector.broadcast %and3A_48 : i32 to vector<16xi32>
    %and3A_50 = arith.andi %add3A_47, %and3A_49 : vector<16xi32>
    %bitcast3A_51 = vector.bitcast %and3A_50 : vector<16xi32> to vector<16xf32>
    %mul3A_52 = arith.mulf %bitcast3A_51, %bitcast3A_16 : vector<16xf32>
    %slice3A = vector.extract_strided_slice %mul3A_34 {offsets = [0], sizes = [1], strides = [1]} : vector<16xf32> to vector<1xf32>
    %squeeze3A = vector.extract %slice3A[0] : f32 from vector<1xf32>
    %add3A_53 = arith.constant 0.000000e+00 : f32
    %add3A_54 = arith.addf %add3A_53, %squeeze3A : f32
    %slice3A_55 = vector.extract_strided_slice %mul3A_52 {offsets = [0], sizes = [1], strides = [1]} : vector<16xf32> to vector<1xf32>
    %squeeze3A_56 = vector.extract %slice3A_55[0] : f32 from vector<1xf32>
    %add3A_57 = arith.constant 0.000000e+00 : f32
    %add3A_58 = arith.addf %add3A_57, %squeeze3A_56 : f32
    %slice3A_59 = vector.extract_strided_slice %mul3A_34 {offsets = [1], sizes = [1], strides = [1]} : vector<16xf32> to vector<1xf32>
    %squeeze3A_60 = vector.extract %slice3A_59[0] : f32 from vector<1xf32>
    %add3A_61 = arith.addf %add3A_54, %squeeze3A_60 : f32
    %slice3A_62 = vector.extract_strided_slice %mul3A_52 {offsets = [1], sizes = [1], strides = [1]} : vector<16xf32> to vector<1xf32>
    %squeeze3A_63 = vector.extract %slice3A_62[0] : f32 from vector<1xf32>
    %add3A_64 = arith.addf %add3A_58, %squeeze3A_63 : f32
    %slice3A_65 = vector.extract_strided_slice %mul3A_34 {offsets = [2], sizes = [1], strides = [1]} : vector<16xf32> to vector<1xf32>
    %squeeze3A_66 = vector.extract %slice3A_65[0] : f32 from vector<1xf32>
    %add3A_67 = arith.addf %add3A_61, %squeeze3A_66 : f32
    %slice3A_68 = vector.extract_strided_slice %mul3A_52 {offsets = [2], sizes = [1], strides = [1]} : vector<16xf32> to vector<1xf32>
    %squeeze3A_69 = vector.extract %slice3A_68[0] : f32 from vector<1xf32>
    %add3A_70 = arith.addf %add3A_64, %squeeze3A_69 : f32
    %slice3A_71 = vector.extract_strided_slice %mul3A_34 {offsets = [3], sizes = [1], strides = [1]} : vector<16xf32> to vector<1xf32>
    %squeeze3A_72 = vector.extract %slice3A_71[0] : f32 from vector<1xf32>
    %add3A_73 = arith.addf %add3A_67, %squeeze3A_72 : f32
    %slice3A_74 = vector.extract_strided_slice %mul3A_52 {offsets = [3], sizes = [1], strides = [1]} : vector<16xf32> to vector<1xf32>
    %squeeze3A_75 = vector.extract %slice3A_74[0] : f32 from vector<1xf32>
    %add3A_76 = arith.addf %add3A_70, %squeeze3A_75 : f32
    %slice3A_77 = vector.extract_strided_slice %mul3A_34 {offsets = [4], sizes = [1], strides = [1]} : vector<16xf32> to vector<1xf32>
    %squeeze3A_78 = vector.extract %slice3A_77[0] : f32 from vector<1xf32>
    %add3A_79 = arith.addf %add3A_73, %squeeze3A_78 : f32
    %slice3A_80 = vector.extract_strided_slice %mul3A_52 {offsets = [4], sizes = [1], strides = [1]} : vector<16xf32> to vector<1xf32>
    %squeeze3A_81 = vector.extract %slice3A_80[0] : f32 from vector<1xf32>
    %add3A_82 = arith.addf %add3A_76, %squeeze3A_81 : f32
    %slice3A_83 = vector.extract_strided_slice %mul3A_34 {offsets = [5], sizes = [1], strides = [1]} : vector<16xf32> to vector<1xf32>
    %squeeze3A_84 = vector.extract %slice3A_83[0] : f32 from vector<1xf32>
    %add3A_85 = arith.addf %add3A_79, %squeeze3A_84 : f32
    %slice3A_86 = vector.extract_strided_slice %mul3A_52 {offsets = [5], sizes = [1], strides = [1]} : vector<16xf32> to vector<1xf32>
    %squeeze3A_87 = vector.extract %slice3A_86[0] : f32 from vector<1xf32>
    %add3A_88 = arith.addf %add3A_82, %squeeze3A_87 : f32
    %slice3A_89 = vector.extract_strided_slice %mul3A_34 {offsets = [6], sizes = [1], strides = [1]} : vector<16xf32> to vector<1xf32>
    %squeeze3A_90 = vector.extract %slice3A_89[0] : f32 from vector<1xf32>
    %add3A_91 = arith.addf %add3A_85, %squeeze3A_90 : f32
    %slice3A_92 = vector.extract_strided_slice %mul3A_52 {offsets = [6], sizes = [1], strides = [1]} : vector<16xf32> to vector<1xf32>
    %squeeze3A_93 = vector.extract %slice3A_92[0] : f32 from vector<1xf32>
    %add3A_94 = arith.addf %add3A_88, %squeeze3A_93 : f32
    %slice3A_95 = vector.extract_strided_slice %mul3A_34 {offsets = [7], sizes = [1], strides = [1]} : vector<16xf32> to vector<1xf32>
    %squeeze3A_96 = vector.extract %slice3A_95[0] : f32 from vector<1xf32>
    %add3A_97 = arith.addf %add3A_91, %squeeze3A_96 : f32
    %slice3A_98 = vector.extract_strided_slice %mul3A_52 {offsets = [7], sizes = [1], strides = [1]} : vector<16xf32> to vector<1xf32>
    %squeeze3A_99 = vector.extract %slice3A_98[0] : f32 from vector<1xf32>
    %add3A_100 = arith.addf %add3A_94, %squeeze3A_99 : f32
    %slice3A_101 = vector.extract_strided_slice %mul3A_34 {offsets = [8], sizes = [1], strides = [1]} : vector<16xf32> to vector<1xf32>
    %squeeze3A_102 = vector.extract %slice3A_101[0] : f32 from vector<1xf32>
    %add3A_103 = arith.addf %add3A_97, %squeeze3A_102 : f32
    %slice3A_104 = vector.extract_strided_slice %mul3A_52 {offsets = [8], sizes = [1], strides = [1]} : vector<16xf32> to vector<1xf32>
    %squeeze3A_105 = vector.extract %slice3A_104[0] : f32 from vector<1xf32>
    %add3A_106 = arith.addf %add3A_100, %squeeze3A_105 : f32
    %slice3A_107 = vector.extract_strided_slice %mul3A_34 {offsets = [9], sizes = [1], strides = [1]} : vector<16xf32> to vector<1xf32>
    %squeeze3A_108 = vector.extract %slice3A_107[0] : f32 from vector<1xf32>
    %add3A_109 = arith.addf %add3A_103, %squeeze3A_108 : f32
    %slice3A_110 = vector.extract_strided_slice %mul3A_52 {offsets = [9], sizes = [1], strides = [1]} : vector<16xf32> to vector<1xf32>
    %squeeze3A_111 = vector.extract %slice3A_110[0] : f32 from vector<1xf32>
    %add3A_112 = arith.addf %add3A_106, %squeeze3A_111 : f32
    %slice3A_113 = vector.extract_strided_slice %mul3A_34 {offsets = [10], sizes = [1], strides = [1]} : vector<16xf32> to vector<1xf32>
    %squeeze3A_114 = vector.extract %slice3A_113[0] : f32 from vector<1xf32>
    %add3A_115 = arith.addf %add3A_109, %squeeze3A_114 : f32
    %slice3A_116 = vector.extract_strided_slice %mul3A_52 {offsets = [10], sizes = [1], strides = [1]} : vector<16xf32> to vector<1xf32>
    %squeeze3A_117 = vector.extract %slice3A_116[0] : f32 from vector<1xf32>
    %add3A_118 = arith.addf %add3A_112, %squeeze3A_117 : f32
    %slice3A_119 = vector.extract_strided_slice %mul3A_34 {offsets = [11], sizes = [1], strides = [1]} : vector<16xf32> to vector<1xf32>
    %squeeze3A_120 = vector.extract %slice3A_119[0] : f32 from vector<1xf32>
    %add3A_121 = arith.addf %add3A_115, %squeeze3A_120 : f32
    %slice3A_122 = vector.extract_strided_slice %mul3A_52 {offsets = [11], sizes = [1], strides = [1]} : vector<16xf32> to vector<1xf32>
    %squeeze3A_123 = vector.extract %slice3A_122[0] : f32 from vector<1xf32>
    %add3A_124 = arith.addf %add3A_118, %squeeze3A_123 : f32
    %slice3A_125 = vector.extract_strided_slice %mul3A_34 {offsets = [12], sizes = [1], strides = [1]} : vector<16xf32> to vector<1xf32>
    %squeeze3A_126 = vector.extract %slice3A_125[0] : f32 from vector<1xf32>
    %add3A_127 = arith.addf %add3A_121, %squeeze3A_126 : f32
    %slice3A_128 = vector.extract_strided_slice %mul3A_52 {offsets = [12], sizes = [1], strides = [1]} : vector<16xf32> to vector<1xf32>
    %squeeze3A_129 = vector.extract %slice3A_128[0] : f32 from vector<1xf32>
    %add3A_130 = arith.addf %add3A_124, %squeeze3A_129 : f32
    %slice3A_131 = vector.extract_strided_slice %mul3A_34 {offsets = [13], sizes = [1], strides = [1]} : vector<16xf32> to vector<1xf32>
    %squeeze3A_132 = vector.extract %slice3A_131[0] : f32 from vector<1xf32>
    %add3A_133 = arith.addf %add3A_127, %squeeze3A_132 : f32
    %slice3A_134 = vector.extract_strided_slice %mul3A_52 {offsets = [13], sizes = [1], strides = [1]} : vector<16xf32> to vector<1xf32>
    %squeeze3A_135 = vector.extract %slice3A_134[0] : f32 from vector<1xf32>
    %add3A_136 = arith.addf %add3A_130, %squeeze3A_135 : f32
    %slice3A_137 = vector.extract_strided_slice %mul3A_34 {offsets = [14], sizes = [1], strides = [1]} : vector<16xf32> to vector<1xf32>
    %squeeze3A_138 = vector.extract %slice3A_137[0] : f32 from vector<1xf32>
    %add3A_139 = arith.addf %add3A_133, %squeeze3A_138 : f32
    %slice3A_140 = vector.extract_strided_slice %mul3A_52 {offsets = [14], sizes = [1], strides = [1]} : vector<16xf32> to vector<1xf32>
    %squeeze3A_141 = vector.extract %slice3A_140[0] : f32 from vector<1xf32>
    %add3A_142 = arith.addf %add3A_136, %squeeze3A_141 : f32
    %slice3A_143 = vector.extract_strided_slice %mul3A_34 {offsets = [15], sizes = [1], strides = [1]} : vector<16xf32> to vector<1xf32>
    %squeeze3A_144 = vector.extract %slice3A_143[0] : f32 from vector<1xf32>
    %add3A_145 = arith.addf %add3A_139, %squeeze3A_144 : f32
    %slice3A_146 = vector.extract_strided_slice %mul3A_52 {offsets = [15], sizes = [1], strides = [1]} : vector<16xf32> to vector<1xf32>
    %squeeze3A_147 = vector.extract %slice3A_146[0] : f32 from vector<1xf32>
    %add3A_148 = arith.addf %add3A_142, %squeeze3A_147 : f32
    %get3A_149 = arith.constant 16 : index
    %get3A_150 = tpu.vector_load %arg9[%get3A_149] {strides = array<i32>} : memref<64xf32, #tpu.memory_space<vmem>>, vector<16xf32>,
    %bitcast3A_151 = vector.bitcast %get3A_150 : vector<16xf32> to vector<16xi32>
    %add3A_152 = arith.constant 32767 : i32
    %add3A_153 = vector.broadcast %add3A_152 : i32 to vector<16xi32>
    %add3A_154 = arith.addi %bitcast3A_151, %add3A_153 : vector<16xi32>
    %shift_right_logical3A_155 = arith.constant 16 : i32
    %shift_right_logical3A_156 = vector.broadcast %shift_right_logical3A_155 : i32 to vector<16xi32>
    %shift_right_logical3A_157 = arith.shrui %bitcast3A_151, %shift_right_logical3A_156 : vector<16xi32>
    %and3A_158 = arith.constant 1 : i32
    %and3A_159 = vector.broadcast %and3A_158 : i32 to vector<16xi32>
    %and3A_160 = arith.andi %shift_right_logical3A_157, %and3A_159 : vector<16xi32>
    %add3A_161 = arith.addi %add3A_154, %and3A_160 : vector<16xi32>
    %and3A_162 = arith.constant -65536 : i32
    %and3A_163 = vector.broadcast %and3A_162 : i32 to vector<16xi32>
    %and3A_164 = arith.andi %add3A_161, %and3A_163 : vector<16xi32>
    %bitcast3A_165 = vector.bitcast %and3A_164 : vector<16xi32> to vector<16xf32>
    %get3A_166 = arith.constant 16 : index
    %get3A_167 = tpu.vector_load %arg10[%get3A_166] {strides = array<i32>} : memref<128xf32, #tpu.memory_space<vmem>>, vector<16xf32>,
    %bitcast3A_168 = vector.bitcast %get3A_167 : vector<16xf32> to vector<16xi32>
    %add3A_169 = arith.constant 32767 : i32
    %add3A_170 = vector.broadcast %add3A_169 : i32 to vector<16xi32>
    %add3A_171 = arith.addi %bitcast3A_168, %add3A_170 : vector<16xi32>
    %shift_right_logical3A_172 = arith.constant 16 : i32
    %shift_right_logical3A_173 = vector.broadcast %shift_right_logical3A_172 : i32 to vector<16xi32>
    %shift_right_logical3A_174 = arith.shrui %bitcast3A_168, %shift_right_logical3A_173 : vector<16xi32>
    %and3A_175 = arith.constant 1 : i32
    %and3A_176 = vector.broadcast %and3A_175 : i32 to vector<16xi32>
    %and3A_177 = arith.andi %shift_right_logical3A_174, %and3A_176 : vector<16xi32>
    %add3A_178 = arith.addi %add3A_171, %and3A_177 : vector<16xi32>
    %and3A_179 = arith.constant -65536 : i32
    %and3A_180 = vector.broadcast %and3A_179 : i32 to vector<16xi32>
    %and3A_181 = arith.andi %add3A_178, %and3A_180 : vector<16xi32>
    %bitcast3A_182 = vector.bitcast %and3A_181 : vector<16xi32> to vector<16xf32>
    %mul3A_183 = arith.mulf %bitcast3A_182, %bitcast3A_165 : vector<16xf32>
    %get3A_184 = arith.constant 80 : index
    %get3A_185 = tpu.vector_load %arg10[%get3A_184] {strides = array<i32>} : memref<128xf32, #tpu.memory_space<vmem>>, vector<16xf32>,
    %bitcast3A_186 = vector.bitcast %get3A_185 : vector<16xf32> to vector<16xi32>
    %add3A_187 = arith.constant 32767 : i32
    %add3A_188 = vector.broadcast %add3A_187 : i32 to vector<16xi32>
    %add3A_189 = arith.addi %bitcast3A_186, %add3A_188 : vector<16xi32>
    %shift_right_logical3A_190 = arith.constant 16 : i32
    %shift_right_logical3A_191 = vector.broadcast %shift_right_logical3A_190 : i32 to vector<16xi32>
    %shift_right_logical3A_192 = arith.shrui %bitcast3A_186, %shift_right_logical3A_191 : vector<16xi32>
    %and3A_193 = arith.constant 1 : i32
    %and3A_194 = vector.broadcast %and3A_193 : i32 to vector<16xi32>
    %and3A_195 = arith.andi %shift_right_logical3A_192, %and3A_194 : vector<16xi32>
    %add3A_196 = arith.addi %add3A_189, %and3A_195 : vector<16xi32>
    %and3A_197 = arith.constant -65536 : i32
    %and3A_198 = vector.broadcast %and3A_197 : i32 to vector<16xi32>
    %and3A_199 = arith.andi %add3A_196, %and3A_198 : vector<16xi32>
    %bitcast3A_200 = vector.bitcast %and3A_199 : vector<16xi32> to vector<16xf32>
    %mul3A_201 = arith.mulf %bitcast3A_200, %bitcast3A_165 : vector<16xf32>
    %slice3A_202 = vector.extract_strided_slice %mul3A_183 {offsets = [0], sizes = [1], strides = [1]} : vector<16xf32> to vector<1xf32>
    %squeeze3A_203 = vector.extract %slice3A_202[0] : f32 from vector<1xf32>
    %add3A_204 = arith.addf %add3A_145, %squeeze3A_203 : f32
    %slice3A_205 = vector.extract_strided_slice %mul3A_201 {offsets = [0], sizes = [1], strides = [1]} : vector<16xf32> to vector<1xf32>
    %squeeze3A_206 = vector.extract %slice3A_205[0] : f32 from vector<1xf32>
    %add3A_207 = arith.addf %add3A_148, %squeeze3A_206 : f32
    %slice3A_208 = vector.extract_strided_slice %mul3A_183 {offsets = [1], sizes = [1], strides = [1]} : vector<16xf32> to vector<1xf32>
    %squeeze3A_209 = vector.extract %slice3A_208[0] : f32 from vector<1xf32>
    %add3A_210 = arith.addf %add3A_204, %squeeze3A_209 : f32
    %slice3A_211 = vector.extract_strided_slice %mul3A_201 {offsets = [1], sizes = [1], strides = [1]} : vector<16xf32> to vector<1xf32>
    %squeeze3A_212 = vector.extract %slice3A_211[0] : f32 from vector<1xf32>
    %add3A_213 = arith.addf %add3A_207, %squeeze3A_212 : f32
    %slice3A_214 = vector.extract_strided_slice %mul3A_183 {offsets = [2], sizes = [1], strides = [1]} : vector<16xf32> to vector<1xf32>
    %squeeze3A_215 = vector.extract %slice3A_214[0] : f32 from vector<1xf32>
    %add3A_216 = arith.addf %add3A_210, %squeeze3A_215 : f32
    %slice3A_217 = vector.extract_strided_slice %mul3A_201 {offsets = [2], sizes = [1], strides = [1]} : vector<16xf32> to vector<1xf32>
    %squeeze3A_218 = vector.extract %slice3A_217[0] : f32 from vector<1xf32>
    %add3A_219 = arith.addf %add3A_213, %squeeze3A_218 : f32
    %slice3A_220 = vector.extract_strided_slice %mul3A_183 {offsets = [3], sizes = [1], strides = [1]} : vector<16xf32> to vector<1xf32>
    %squeeze3A_221 = vector.extract %slice3A_220[0] : f32 from vector<1xf32>
    %add3A_222 = arith.addf %add3A_216, %squeeze3A_221 : f32
    %slice3A_223 = vector.extract_strided_slice %mul3A_201 {offsets = [3], sizes = [1], strides = [1]} : vector<16xf32> to vector<1xf32>
    %squeeze3A_224 = vector.extract %slice3A_223[0] : f32 from vector<1xf32>
    %add3A_225 = arith.addf %add3A_219, %squeeze3A_224 : f32
    %slice3A_226 = vector.extract_strided_slice %mul3A_183 {offsets = [4], sizes = [1], strides = [1]} : vector<16xf32> to vector<1xf32>
    %squeeze3A_227 = vector.extract %slice3A_226[0] : f32 from vector<1xf32>
    %add3A_228 = arith.addf %add3A_222, %squeeze3A_227 : f32
    %slice3A_229 = vector.extract_strided_slice %mul3A_201 {offsets = [4], sizes = [1], strides = [1]} : vector<16xf32> to vector<1xf32>
    %squeeze3A_230 = vector.extract %slice3A_229[0] : f32 from vector<1xf32>
    %add3A_231 = arith.addf %add3A_225, %squeeze3A_230 : f32
    %slice3A_232 = vector.extract_strided_slice %mul3A_183 {offsets = [5], sizes = [1], strides = [1]} : vector<16xf32> to vector<1xf32>
    %squeeze3A_233 = vector.extract %slice3A_232[0] : f32 from vector<1xf32>
    %add3A_234 = arith.addf %add3A_228, %squeeze3A_233 : f32
    %slice3A_235 = vector.extract_strided_slice %mul3A_201 {offsets = [5], sizes = [1], strides = [1]} : vector<16xf32> to vector<1xf32>
    %squeeze3A_236 = vector.extract %slice3A_235[0] : f32 from vector<1xf32>
    %add3A_237 = arith.addf %add3A_231, %squeeze3A_236 : f32
    %slice3A_238 = vector.extract_strided_slice %mul3A_183 {offsets = [6], sizes = [1], strides = [1]} : vector<16xf32> to vector<1xf32>
    %squeeze3A_239 = vector.extract %slice3A_238[0] : f32 from vector<1xf32>
    %add3A_240 = arith.addf %add3A_234, %squeeze3A_239 : f32
    %slice3A_241 = vector.extract_strided_slice %mul3A_201 {offsets = [6], sizes = [1], strides = [1]} : vector<16xf32> to vector<1xf32>
    %squeeze3A_242 = vector.extract %slice3A_241[0] : f32 from vector<1xf32>
    %add3A_243 = arith.addf %add3A_237, %squeeze3A_242 : f32
    %slice3A_244 = vector.extract_strided_slice %mul3A_183 {offsets = [7], sizes = [1], strides = [1]} : vector<16xf32> to vector<1xf32>
    %squeeze3A_245 = vector.extract %slice3A_244[0] : f32 from vector<1xf32>
    %add3A_246 = arith.addf %add3A_240, %squeeze3A_245 : f32
    %slice3A_247 = vector.extract_strided_slice %mul3A_201 {offsets = [7], sizes = [1], strides = [1]} : vector<16xf32> to vector<1xf32>
    %squeeze3A_248 = vector.extract %slice3A_247[0] : f32 from vector<1xf32>
    %add3A_249 = arith.addf %add3A_243, %squeeze3A_248 : f32
    %slice3A_250 = vector.extract_strided_slice %mul3A_183 {offsets = [8], sizes = [1], strides = [1]} : vector<16xf32> to vector<1xf32>
    %squeeze3A_251 = vector.extract %slice3A_250[0] : f32 from vector<1xf32>
    %add3A_252 = arith.addf %add3A_246, %squeeze3A_251 : f32
    %slice3A_253 = vector.extract_strided_slice %mul3A_201 {offsets = [8], sizes = [1], strides = [1]} : vector<16xf32> to vector<1xf32>
    %squeeze3A_254 = vector.extract %slice3A_253[0] : f32 from vector<1xf32>
    %add3A_255 = arith.addf %add3A_249, %squeeze3A_254 : f32
    %slice3A_256 = vector.extract_strided_slice %mul3A_183 {offsets = [9], sizes = [1], strides = [1]} : vector<16xf32> to vector<1xf32>
    %squeeze3A_257 = vector.extract %slice3A_256[0] : f32 from vector<1xf32>
    %add3A_258 = arith.addf %add3A_252, %squeeze3A_257 : f32
    %slice3A_259 = vector.extract_strided_slice %mul3A_201 {offsets = [9], sizes = [1], strides = [1]} : vector<16xf32> to vector<1xf32>
    %squeeze3A_260 = vector.extract %slice3A_259[0] : f32 from vector<1xf32>
    %add3A_261 = arith.addf %add3A_255, %squeeze3A_260 : f32
    %slice3A_262 = vector.extract_strided_slice %mul3A_183 {offsets = [10], sizes = [1], strides = [1]} : vector<16xf32> to vector<1xf32>
    %squeeze3A_263 = vector.extract %slice3A_262[0] : f32 from vector<1xf32>
    %add3A_264 = arith.addf %add3A_258, %squeeze3A_263 : f32
    %slice3A_265 = vector.extract_strided_slice %mul3A_201 {offsets = [10], sizes = [1], strides = [1]} : vector<16xf32> to vector<1xf32>
    %squeeze3A_266 = vector.extract %slice3A_265[0] : f32 from vector<1xf32>
    %add3A_267 = arith.addf %add3A_261, %squeeze3A_266 : f32
    %slice3A_268 = vector.extract_strided_slice %mul3A_183 {offsets = [11], sizes = [1], strides = [1]} : vector<16xf32> to vector<1xf32>
    %squeeze3A_269 = vector.extract %slice3A_268[0] : f32 from vector<1xf32>
    %add3A_270 = arith.addf %add3A_264, %squeeze3A_269 : f32
    %slice3A_271 = vector.extract_strided_slice %mul3A_201 {offsets = [11], sizes = [1], strides = [1]} : vector<16xf32> to vector<1xf32>
    %squeeze3A_272 = vector.extract %slice3A_271[0] : f32 from vector<1xf32>
    %add3A_273 = arith.addf %add3A_267, %squeeze3A_272 : f32
    %slice3A_274 = vector.extract_strided_slice %mul3A_183 {offsets = [12], sizes = [1], strides = [1]} : vector<16xf32> to vector<1xf32>
    %squeeze3A_275 = vector.extract %slice3A_274[0] : f32 from vector<1xf32>
    %add3A_276 = arith.addf %add3A_270, %squeeze3A_275 : f32
    %slice3A_277 = vector.extract_strided_slice %mul3A_201 {offsets = [12], sizes = [1], strides = [1]} : vector<16xf32> to vector<1xf32>
    %squeeze3A_278 = vector.extract %slice3A_277[0] : f32 from vector<1xf32>
    %add3A_279 = arith.addf %add3A_273, %squeeze3A_278 : f32
    %slice3A_280 = vector.extract_strided_slice %mul3A_183 {offsets = [13], sizes = [1], strides = [1]} : vector<16xf32> to vector<1xf32>
    %squeeze3A_281 = vector.extract %slice3A_280[0] : f32 from vector<1xf32>
    %add3A_282 = arith.addf %add3A_276, %squeeze3A_281 : f32
    %slice3A_283 = vector.extract_strided_slice %mul3A_201 {offsets = [13], sizes = [1], strides = [1]} : vector<16xf32> to vector<1xf32>
    %squeeze3A_284 = vector.extract %slice3A_283[0] : f32 from vector<1xf32>
    %add3A_285 = arith.addf %add3A_279, %squeeze3A_284 : f32
    %slice3A_286 = vector.extract_strided_slice %mul3A_183 {offsets = [14], sizes = [1], strides = [1]} : vector<16xf32> to vector<1xf32>
    %squeeze3A_287 = vector.extract %slice3A_286[0] : f32 from vector<1xf32>
    %add3A_288 = arith.addf %add3A_282, %squeeze3A_287 : f32
    %slice3A_289 = vector.extract_strided_slice %mul3A_201 {offsets = [14], sizes = [1], strides = [1]} : vector<16xf32> to vector<1xf32>
    %squeeze3A_290 = vector.extract %slice3A_289[0] : f32 from vector<1xf32>
    %add3A_291 = arith.addf %add3A_285, %squeeze3A_290 : f32
    %slice3A_292 = vector.extract_strided_slice %mul3A_183 {offsets = [15], sizes = [1], strides = [1]} : vector<16xf32> to vector<1xf32>
    %squeeze3A_293 = vector.extract %slice3A_292[0] : f32 from vector<1xf32>
    %add3A_294 = arith.addf %add3A_288, %squeeze3A_293 : f32
    %slice3A_295 = vector.extract_strided_slice %mul3A_201 {offsets = [15], sizes = [1], strides = [1]} : vector<16xf32> to vector<1xf32>
    %squeeze3A_296 = vector.extract %slice3A_295[0] : f32 from vector<1xf32>
    %add3A_297 = arith.addf %add3A_291, %squeeze3A_296 : f32
    %get3A_298 = arith.constant 32 : index
    %get3A_299 = tpu.vector_load %arg9[%get3A_298] {strides = array<i32>} : memref<64xf32, #tpu.memory_space<vmem>>, vector<16xf32>,
    %bitcast3A_300 = vector.bitcast %get3A_299 : vector<16xf32> to vector<16xi32>
    %add3A_301 = arith.constant 32767 : i32
    %add3A_302 = vector.broadcast %add3A_301 : i32 to vector<16xi32>
    %add3A_303 = arith.addi %bitcast3A_300, %add3A_302 : vector<16xi32>
    %shift_right_logical3A_304 = arith.constant 16 : i32
    %shift_right_logical3A_305 = vector.broadcast %shift_right_logical3A_304 : i32 to vector<16xi32>
    %shift_right_logical3A_306 = arith.shrui %bitcast3A_300, %shift_right_logical3A_305 : vector<16xi32>
    %and3A_307 = arith.constant 1 : i32
    %and3A_308 = vector.broadcast %and3A_307 : i32 to vector<16xi32>
    %and3A_309 = arith.andi %shift_right_logical3A_306, %and3A_308 : vector<16xi32>
    %add3A_310 = arith.addi %add3A_303, %and3A_309 : vector<16xi32>
    %and3A_311 = arith.constant -65536 : i32
    %and3A_312 = vector.broadcast %and3A_311 : i32 to vector<16xi32>
    %and3A_313 = arith.andi %add3A_310, %and3A_312 : vector<16xi32>
    %bitcast3A_314 = vector.bitcast %and3A_313 : vector<16xi32> to vector<16xf32>
    %get3A_315 = arith.constant 32 : index
    %get3A_316 = tpu.vector_load %arg10[%get3A_315] {strides = array<i32>} : memref<128xf32, #tpu.memory_space<vmem>>, vector<16xf32>,
    %bitcast3A_317 = vector.bitcast %get3A_316 : vector<16xf32> to vector<16xi32>
    %add3A_318 = arith.constant 32767 : i32
    %add3A_319 = vector.broadcast %add3A_318 : i32 to vector<16xi32>
    %add3A_320 = arith.addi %bitcast3A_317, %add3A_319 : vector<16xi32>
    %shift_right_logical3A_321 = arith.constant 16 : i32
    %shift_right_logical3A_322 = vector.broadcast %shift_right_logical3A_321 : i32 to vector<16xi32>
    %shift_right_logical3A_323 = arith.shrui %bitcast3A_317, %shift_right_logical3A_322 : vector<16xi32>
    %and3A_324 = arith.constant 1 : i32
    %and3A_325 = vector.broadcast %and3A_324 : i32 to vector<16xi32>
    %and3A_326 = arith.andi %shift_right_logical3A_323, %and3A_325 : vector<16xi32>
    %add3A_327 = arith.addi %add3A_320, %and3A_326 : vector<16xi32>
    %and3A_328 = arith.constant -65536 : i32
    %and3A_329 = vector.broadcast %and3A_328 : i32 to vector<16xi32>
    %and3A_330 = arith.andi %add3A_327, %and3A_329 : vector<16xi32>
    %bitcast3A_331 = vector.bitcast %and3A_330 : vector<16xi32> to vector<16xf32>
    %mul3A_332 = arith.mulf %bitcast3A_331, %bitcast3A_314 : vector<16xf32>
    %get3A_333 = arith.constant 96 : index
    %get3A_334 = tpu.vector_load %arg10[%get3A_333] {strides = array<i32>} : memref<128xf32, #tpu.memory_space<vmem>>, vector<16xf32>,
    %bitcast3A_335 = vector.bitcast %get3A_334 : vector<16xf32> to vector<16xi32>
    %add3A_336 = arith.constant 32767 : i32
    %add3A_337 = vector.broadcast %add3A_336 : i32 to vector<16xi32>
    %add3A_338 = arith.addi %bitcast3A_335, %add3A_337 : vector<16xi32>
    %shift_right_logical3A_339 = arith.constant 16 : i32
    %shift_right_logical3A_340 = vector.broadcast %shift_right_logical3A_339 : i32 to vector<16xi32>
    %shift_right_logical3A_341 = arith.shrui %bitcast3A_335, %shift_right_logical3A_340 : vector<16xi32>
    %and3A_342 = arith.constant 1 : i32
    %and3A_343 = vector.broadcast %and3A_342 : i32 to vector<16xi32>
    %and3A_344 = arith.andi %shift_right_logical3A_341, %and3A_343 : vector<16xi32>
    %add3A_345 = arith.addi %add3A_338, %and3A_344 : vector<16xi32>
    %and3A_346 = arith.constant -65536 : i32
    %and3A_347 = vector.broadcast %and3A_346 : i32 to vector<16xi32>
    %and3A_348 = arith.andi %add3A_345, %and3A_347 : vector<16xi32>
    %bitcast3A_349 = vector.bitcast %and3A_348 : vector<16xi32> to vector<16xf32>
    %mul3A_350 = arith.mulf %bitcast3A_349, %bitcast3A_314 : vector<16xf32>
    %slice3A_351 = vector.extract_strided_slice %mul3A_332 {offsets = [0], sizes = [1], strides = [1]} : vector<16xf32> to vector<1xf32>
    %squeeze3A_352 = vector.extract %slice3A_351[0] : f32 from vector<1xf32>
    %add3A_353 = arith.addf %add3A_294, %squeeze3A_352 : f32
    %slice3A_354 = vector.extract_strided_slice %mul3A_350 {offsets = [0], sizes = [1], strides = [1]} : vector<16xf32> to vector<1xf32>
    %squeeze3A_355 = vector.extract %slice3A_354[0] : f32 from vector<1xf32>
    %add3A_356 = arith.addf %add3A_297, %squeeze3A_355 : f32
    %slice3A_357 = vector.extract_strided_slice %mul3A_332 {offsets = [1], sizes = [1], strides = [1]} : vector<16xf32> to vector<1xf32>
    %squeeze3A_358 = vector.extract %slice3A_357[0] : f32 from vector<1xf32>
    %add3A_359 = arith.addf %add3A_353, %squeeze3A_358 : f32
    %slice3A_360 = vector.extract_strided_slice %mul3A_350 {offsets = [1], sizes = [1], strides = [1]} : vector<16xf32> to vector<1xf32>
    %squeeze3A_361 = vector.extract %slice3A_360[0] : f32 from vector<1xf32>
    %add3A_362 = arith.addf %add3A_356, %squeeze3A_361 : f32
    %slice3A_363 = vector.extract_strided_slice %mul3A_332 {offsets = [2], sizes = [1], strides = [1]} : vector<16xf32> to vector<1xf32>
    %squeeze3A_364 = vector.extract %slice3A_363[0] : f32 from vector<1xf32>
    %add3A_365 = arith.addf %add3A_359, %squeeze3A_364 : f32
    %slice3A_366 = vector.extract_strided_slice %mul3A_350 {offsets = [2], sizes = [1], strides = [1]} : vector<16xf32> to vector<1xf32>
    %squeeze3A_367 = vector.extract %slice3A_366[0] : f32 from vector<1xf32>
    %add3A_368 = arith.addf %add3A_362, %squeeze3A_367 : f32
    %slice3A_369 = vector.extract_strided_slice %mul3A_332 {offsets = [3], sizes = [1], strides = [1]} : vector<16xf32> to vector<1xf32>
    %squeeze3A_370 = vector.extract %slice3A_369[0] : f32 from vector<1xf32>
    %add3A_371 = arith.addf %add3A_365, %squeeze3A_370 : f32
    %slice3A_372 = vector.extract_strided_slice %mul3A_350 {offsets = [3], sizes = [1], strides = [1]} : vector<16xf32> to vector<1xf32>
    %squeeze3A_373 = vector.extract %slice3A_372[0] : f32 from vector<1xf32>
    %add3A_374 = arith.addf %add3A_368, %squeeze3A_373 : f32
    %slice3A_375 = vector.extract_strided_slice %mul3A_332 {offsets = [4], sizes = [1], strides = [1]} : vector<16xf32> to vector<1xf32>
    %squeeze3A_376 = vector.extract %slice3A_375[0] : f32 from vector<1xf32>
    %add3A_377 = arith.addf %add3A_371, %squeeze3A_376 : f32
    %slice3A_378 = vector.extract_strided_slice %mul3A_350 {offsets = [4], sizes = [1], strides = [1]} : vector<16xf32> to vector<1xf32>
    %squeeze3A_379 = vector.extract %slice3A_378[0] : f32 from vector<1xf32>
    %add3A_380 = arith.addf %add3A_374, %squeeze3A_379 : f32
    %slice3A_381 = vector.extract_strided_slice %mul3A_332 {offsets = [5], sizes = [1], strides = [1]} : vector<16xf32> to vector<1xf32>
    %squeeze3A_382 = vector.extract %slice3A_381[0] : f32 from vector<1xf32>
    %add3A_383 = arith.addf %add3A_377, %squeeze3A_382 : f32
    %slice3A_384 = vector.extract_strided_slice %mul3A_350 {offsets = [5], sizes = [1], strides = [1]} : vector<16xf32> to vector<1xf32>
    %squeeze3A_385 = vector.extract %slice3A_384[0] : f32 from vector<1xf32>
    %add3A_386 = arith.addf %add3A_380, %squeeze3A_385 : f32
    %slice3A_387 = vector.extract_strided_slice %mul3A_332 {offsets = [6], sizes = [1], strides = [1]} : vector<16xf32> to vector<1xf32>
    %squeeze3A_388 = vector.extract %slice3A_387[0] : f32 from vector<1xf32>
    %add3A_389 = arith.addf %add3A_383, %squeeze3A_388 : f32
    %slice3A_390 = vector.extract_strided_slice %mul3A_350 {offsets = [6], sizes = [1], strides = [1]} : vector<16xf32> to vector<1xf32>
    %squeeze3A_391 = vector.extract %slice3A_390[0] : f32 from vector<1xf32>
    %add3A_392 = arith.addf %add3A_386, %squeeze3A_391 : f32
    %slice3A_393 = vector.extract_strided_slice %mul3A_332 {offsets = [7], sizes = [1], strides = [1]} : vector<16xf32> to vector<1xf32>
    %squeeze3A_394 = vector.extract %slice3A_393[0] : f32 from vector<1xf32>
    %add3A_395 = arith.addf %add3A_389, %squeeze3A_394 : f32
    %slice3A_396 = vector.extract_strided_slice %mul3A_350 {offsets = [7], sizes = [1], strides = [1]} : vector<16xf32> to vector<1xf32>
    %squeeze3A_397 = vector.extract %slice3A_396[0] : f32 from vector<1xf32>
    %add3A_398 = arith.addf %add3A_392, %squeeze3A_397 : f32
    %slice3A_399 = vector.extract_strided_slice %mul3A_332 {offsets = [8], sizes = [1], strides = [1]} : vector<16xf32> to vector<1xf32>
    %squeeze3A_400 = vector.extract %slice3A_399[0] : f32 from vector<1xf32>
    %add3A_401 = arith.addf %add3A_395, %squeeze3A_400 : f32
    %slice3A_402 = vector.extract_strided_slice %mul3A_350 {offsets = [8], sizes = [1], strides = [1]} : vector<16xf32> to vector<1xf32>
    %squeeze3A_403 = vector.extract %slice3A_402[0] : f32 from vector<1xf32>
    %add3A_404 = arith.addf %add3A_398, %squeeze3A_403 : f32
    %slice3A_405 = vector.extract_strided_slice %mul3A_332 {offsets = [9], sizes = [1], strides = [1]} : vector<16xf32> to vector<1xf32>
    %squeeze3A_406 = vector.extract %slice3A_405[0] : f32 from vector<1xf32>
    %add3A_407 = arith.addf %add3A_401, %squeeze3A_406 : f32
    %slice3A_408 = vector.extract_strided_slice %mul3A_350 {offsets = [9], sizes = [1], strides = [1]} : vector<16xf32> to vector<1xf32>
    %squeeze3A_409 = vector.extract %slice3A_408[0] : f32 from vector<1xf32>
    %add3A_410 = arith.addf %add3A_404, %squeeze3A_409 : f32
    %slice3A_411 = vector.extract_strided_slice %mul3A_332 {offsets = [10], sizes = [1], strides = [1]} : vector<16xf32> to vector<1xf32>
    %squeeze3A_412 = vector.extract %slice3A_411[0] : f32 from vector<1xf32>
    %add3A_413 = arith.addf %add3A_407, %squeeze3A_412 : f32
    %slice3A_414 = vector.extract_strided_slice %mul3A_350 {offsets = [10], sizes = [1], strides = [1]} : vector<16xf32> to vector<1xf32>
    %squeeze3A_415 = vector.extract %slice3A_414[0] : f32 from vector<1xf32>
    %add3A_416 = arith.addf %add3A_410, %squeeze3A_415 : f32
    %slice3A_417 = vector.extract_strided_slice %mul3A_332 {offsets = [11], sizes = [1], strides = [1]} : vector<16xf32> to vector<1xf32>
    %squeeze3A_418 = vector.extract %slice3A_417[0] : f32 from vector<1xf32>
    %add3A_419 = arith.addf %add3A_413, %squeeze3A_418 : f32
    %slice3A_420 = vector.extract_strided_slice %mul3A_350 {offsets = [11], sizes = [1], strides = [1]} : vector<16xf32> to vector<1xf32>
    %squeeze3A_421 = vector.extract %slice3A_420[0] : f32 from vector<1xf32>
    %add3A_422 = arith.addf %add3A_416, %squeeze3A_421 : f32
    %slice3A_423 = vector.extract_strided_slice %mul3A_332 {offsets = [12], sizes = [1], strides = [1]} : vector<16xf32> to vector<1xf32>
    %squeeze3A_424 = vector.extract %slice3A_423[0] : f32 from vector<1xf32>
    %add3A_425 = arith.addf %add3A_419, %squeeze3A_424 : f32
    %slice3A_426 = vector.extract_strided_slice %mul3A_350 {offsets = [12], sizes = [1], strides = [1]} : vector<16xf32> to vector<1xf32>
    %squeeze3A_427 = vector.extract %slice3A_426[0] : f32 from vector<1xf32>
    %add3A_428 = arith.addf %add3A_422, %squeeze3A_427 : f32
    %slice3A_429 = vector.extract_strided_slice %mul3A_332 {offsets = [13], sizes = [1], strides = [1]} : vector<16xf32> to vector<1xf32>
    %squeeze3A_430 = vector.extract %slice3A_429[0] : f32 from vector<1xf32>
    %add3A_431 = arith.addf %add3A_425, %squeeze3A_430 : f32
    %slice3A_432 = vector.extract_strided_slice %mul3A_350 {offsets = [13], sizes = [1], strides = [1]} : vector<16xf32> to vector<1xf32>
    %squeeze3A_433 = vector.extract %slice3A_432[0] : f32 from vector<1xf32>
    %add3A_434 = arith.addf %add3A_428, %squeeze3A_433 : f32
    %slice3A_435 = vector.extract_strided_slice %mul3A_332 {offsets = [14], sizes = [1], strides = [1]} : vector<16xf32> to vector<1xf32>
    %squeeze3A_436 = vector.extract %slice3A_435[0] : f32 from vector<1xf32>
    %add3A_437 = arith.addf %add3A_431, %squeeze3A_436 : f32
    %slice3A_438 = vector.extract_strided_slice %mul3A_350 {offsets = [14], sizes = [1], strides = [1]} : vector<16xf32> to vector<1xf32>
    %squeeze3A_439 = vector.extract %slice3A_438[0] : f32 from vector<1xf32>
    %add3A_440 = arith.addf %add3A_434, %squeeze3A_439 : f32
    %slice3A_441 = vector.extract_strided_slice %mul3A_332 {offsets = [15], sizes = [1], strides = [1]} : vector<16xf32> to vector<1xf32>
    %squeeze3A_442 = vector.extract %slice3A_441[0] : f32 from vector<1xf32>
    %add3A_443 = arith.addf %add3A_437, %squeeze3A_442 : f32
    %slice3A_444 = vector.extract_strided_slice %mul3A_350 {offsets = [15], sizes = [1], strides = [1]} : vector<16xf32> to vector<1xf32>
    %squeeze3A_445 = vector.extract %slice3A_444[0] : f32 from vector<1xf32>
    %add3A_446 = arith.addf %add3A_440, %squeeze3A_445 : f32
    %broadcast_in_dim3A = vector.broadcast %add3A_443 : f32 to vector<16xf32>
    %bitcast3A_447 = vector.bitcast %broadcast_in_dim3A : vector<16xf32> to vector<16xi32>
    %add3A_448 = arith.constant 32767 : i32
    %add3A_449 = vector.broadcast %add3A_448 : i32 to vector<16xi32>
    %add3A_450 = arith.addi %bitcast3A_447, %add3A_449 : vector<16xi32>
    %shift_right_logical3A_451 = arith.constant 16 : i32
    %shift_right_logical3A_452 = vector.broadcast %shift_right_logical3A_451 : i32 to vector<16xi32>
    %shift_right_logical3A_453 = arith.shrui %bitcast3A_447, %shift_right_logical3A_452 : vector<16xi32>
    %and3A_454 = arith.constant 1 : i32
    %and3A_455 = vector.broadcast %and3A_454 : i32 to vector<16xi32>
    %and3A_456 = arith.andi %shift_right_logical3A_453, %and3A_455 : vector<16xi32>
    %add3A_457 = arith.addi %add3A_450, %and3A_456 : vector<16xi32>
    %and3A_458 = arith.constant -65536 : i32
    %and3A_459 = vector.broadcast %and3A_458 : i32 to vector<16xi32>
    %and3A_460 = arith.andi %add3A_457, %and3A_459 : vector<16xi32>
    %bitcast3A_461 = vector.bitcast %and3A_460 : vector<16xi32> to vector<16xf32>
    %slice3A_462 = vector.extract_strided_slice %bitcast3A_461 {offsets = [0], sizes = [1], strides = [1]} : vector<16xf32> to vector<1xf32>
    %squeeze3A_463 = vector.extract %slice3A_462[0] : f32 from vector<1xf32>
    %broadcast_in_dim3A_464 = vector.broadcast %add3A_446 : f32 to vector<16xf32>
    %bitcast3A_465 = vector.bitcast %broadcast_in_dim3A_464 : vector<16xf32> to vector<16xi32>
    %add3A_466 = arith.constant 32767 : i32
    %add3A_467 = vector.broadcast %add3A_466 : i32 to vector<16xi32>
    %add3A_468 = arith.addi %bitcast3A_465, %add3A_467 : vector<16xi32>
    %shift_right_logical3A_469 = arith.constant 16 : i32
    %shift_right_logical3A_470 = vector.broadcast %shift_right_logical3A_469 : i32 to vector<16xi32>
    %shift_right_logical3A_471 = arith.shrui %bitcast3A_465, %shift_right_logical3A_470 : vector<16xi32>
    %and3A_472 = arith.constant 1 : i32
    %and3A_473 = vector.broadcast %and3A_472 : i32 to vector<16xi32>
    %and3A_474 = arith.andi %shift_right_logical3A_471, %and3A_473 : vector<16xi32>
    %add3A_475 = arith.addi %add3A_468, %and3A_474 : vector<16xi32>
    %and3A_476 = arith.constant -65536 : i32
    %and3A_477 = vector.broadcast %and3A_476 : i32 to vector<16xi32>
    %and3A_478 = arith.andi %add3A_475, %and3A_477 : vector<16xi32>
    %bitcast3A_479 = vector.bitcast %and3A_478 : vector<16xi32> to vector<16xf32>
    %slice3A_480 = vector.extract_strided_slice %bitcast3A_479 {offsets = [0], sizes = [1], strides = [1]} : vector<16xf32> to vector<1xf32>
    %squeeze3A_481 = vector.extract %slice3A_480[0] : f32 from vector<1xf32>
    %get3A_482 = arith.constant 0 : index
    %get3A_483 = tpu.vector_load %arg11[%get3A_482] {strides = array<i32>} : memref<128xf32, #tpu.memory_space<vmem>>, vector<16xf32>,
    %bitcast3A_484 = vector.bitcast %get3A_483 : vector<16xf32> to vector<16xi32>
    %add3A_485 = arith.constant 32767 : i32
    %add3A_486 = vector.broadcast %add3A_485 : i32 to vector<16xi32>
    %add3A_487 = arith.addi %bitcast3A_484, %add3A_486 : vector<16xi32>
    %shift_right_logical3A_488 = arith.constant 16 : i32
    %shift_right_logical3A_489 = vector.broadcast %shift_right_logical3A_488 : i32 to vector<16xi32>
    %shift_right_logical3A_490 = arith.shrui %bitcast3A_484, %shift_right_logical3A_489 : vector<16xi32>
    %and3A_491 = arith.constant 1 : i32
    %and3A_492 = vector.broadcast %and3A_491 : i32 to vector<16xi32>
    %and3A_493 = arith.andi %shift_right_logical3A_490, %and3A_492 : vector<16xi32>
    %add3A_494 = arith.addi %add3A_487, %and3A_493 : vector<16xi32>
    %and3A_495 = arith.constant -65536 : i32
    %and3A_496 = vector.broadcast %and3A_495 : i32 to vector<16xi32>
    %and3A_497 = arith.andi %add3A_494, %and3A_496 : vector<16xi32>
    %bitcast3A_498 = vector.bitcast %and3A_497 : vector<16xi32> to vector<16xf32>
    %get3A_499 = arith.constant 16 : index
    %get3A_500 = tpu.vector_load %arg11[%get3A_499] {strides = array<i32>} : memref<128xf32, #tpu.memory_space<vmem>>, vector<16xf32>,
    %bitcast3A_501 = vector.bitcast %get3A_500 : vector<16xf32> to vector<16xi32>
    %add3A_502 = arith.constant 32767 : i32
    %add3A_503 = vector.broadcast %add3A_502 : i32 to vector<16xi32>
    %add3A_504 = arith.addi %bitcast3A_501, %add3A_503 : vector<16xi32>
    %shift_right_logical3A_505 = arith.constant 16 : i32
    %shift_right_logical3A_506 = vector.broadcast %shift_right_logical3A_505 : i32 to vector<16xi32>
    %shift_right_logical3A_507 = arith.shrui %bitcast3A_501, %shift_right_logical3A_506 : vector<16xi32>
    %and3A_508 = arith.constant 1 : i32
    %and3A_509 = vector.broadcast %and3A_508 : i32 to vector<16xi32>
    %and3A_510 = arith.andi %shift_right_logical3A_507, %and3A_509 : vector<16xi32>
    %add3A_511 = arith.addi %add3A_504, %and3A_510 : vector<16xi32>
    %and3A_512 = arith.constant -65536 : i32
    %and3A_513 = vector.broadcast %and3A_512 : i32 to vector<16xi32>
    %and3A_514 = arith.andi %add3A_511, %and3A_513 : vector<16xi32>
    %bitcast3A_515 = vector.bitcast %and3A_514 : vector<16xi32> to vector<16xf32>
    %get3A_516 = arith.constant 32 : index
    %get3A_517 = tpu.vector_load %arg11[%get3A_516] {strides = array<i32>} : memref<128xf32, #tpu.memory_space<vmem>>, vector<16xf32>,
    %bitcast3A_518 = vector.bitcast %get3A_517 : vector<16xf32> to vector<16xi32>
    %add3A_519 = arith.constant 32767 : i32
    %add3A_520 = vector.broadcast %add3A_519 : i32 to vector<16xi32>
    %add3A_521 = arith.addi %bitcast3A_518, %add3A_520 : vector<16xi32>
    %shift_right_logical3A_522 = arith.constant 16 : i32
    %shift_right_logical3A_523 = vector.broadcast %shift_right_logical3A_522 : i32 to vector<16xi32>
    %shift_right_logical3A_524 = arith.shrui %bitcast3A_518, %shift_right_logical3A_523 : vector<16xi32>
    %and3A_525 = arith.constant 1 : i32
    %and3A_526 = vector.broadcast %and3A_525 : i32 to vector<16xi32>
    %and3A_527 = arith.andi %shift_right_logical3A_524, %and3A_526 : vector<16xi32>
    %add3A_528 = arith.addi %add3A_521, %and3A_527 : vector<16xi32>
    %and3A_529 = arith.constant -65536 : i32
    %and3A_530 = vector.broadcast %and3A_529 : i32 to vector<16xi32>
    %and3A_531 = arith.andi %add3A_528, %and3A_530 : vector<16xi32>
    %bitcast3A_532 = vector.bitcast %and3A_531 : vector<16xi32> to vector<16xf32>
    %get3A_533 = arith.constant 64 : index
    %get3A_534 = tpu.vector_load %arg11[%get3A_533] {strides = array<i32>} : memref<128xf32, #tpu.memory_space<vmem>>, vector<16xf32>,
    %bitcast3A_535 = vector.bitcast %get3A_534 : vector<16xf32> to vector<16xi32>
    %add3A_536 = arith.constant 32767 : i32
    %add3A_537 = vector.broadcast %add3A_536 : i32 to vector<16xi32>
    %add3A_538 = arith.addi %bitcast3A_535, %add3A_537 : vector<16xi32>
    %shift_right_logical3A_539 = arith.constant 16 : i32
    %shift_right_logical3A_540 = vector.broadcast %shift_right_logical3A_539 : i32 to vector<16xi32>
    %shift_right_logical3A_541 = arith.shrui %bitcast3A_535, %shift_right_logical3A_540 : vector<16xi32>
    %and3A_542 = arith.constant 1 : i32
    %and3A_543 = vector.broadcast %and3A_542 : i32 to vector<16xi32>
    %and3A_544 = arith.andi %shift_right_logical3A_541, %and3A_543 : vector<16xi32>
    %add3A_545 = arith.addi %add3A_538, %and3A_544 : vector<16xi32>
    %and3A_546 = arith.constant -65536 : i32
    %and3A_547 = vector.broadcast %and3A_546 : i32 to vector<16xi32>
    %and3A_548 = arith.andi %add3A_545, %and3A_547 : vector<16xi32>
    %bitcast3A_549 = vector.bitcast %and3A_548 : vector<16xi32> to vector<16xf32>
    %get3A_550 = arith.constant 80 : index
    %get3A_551 = tpu.vector_load %arg11[%get3A_550] {strides = array<i32>} : memref<128xf32, #tpu.memory_space<vmem>>, vector<16xf32>,
    %bitcast3A_552 = vector.bitcast %get3A_551 : vector<16xf32> to vector<16xi32>
    %add3A_553 = arith.constant 32767 : i32
    %add3A_554 = vector.broadcast %add3A_553 : i32 to vector<16xi32>
    %add3A_555 = arith.addi %bitcast3A_552, %add3A_554 : vector<16xi32>
    %shift_right_logical3A_556 = arith.constant 16 : i32
    %shift_right_logical3A_557 = vector.broadcast %shift_right_logical3A_556 : i32 to vector<16xi32>
    %shift_right_logical3A_558 = arith.shrui %bitcast3A_552, %shift_right_logical3A_557 : vector<16xi32>
    %and3A_559 = arith.constant 1 : i32
    %and3A_560 = vector.broadcast %and3A_559 : i32 to vector<16xi32>
    %and3A_561 = arith.andi %shift_right_logical3A_558, %and3A_560 : vector<16xi32>
    %add3A_562 = arith.addi %add3A_555, %and3A_561 : vector<16xi32>
    %and3A_563 = arith.constant -65536 : i32
    %and3A_564 = vector.broadcast %and3A_563 : i32 to vector<16xi32>
    %and3A_565 = arith.andi %add3A_562, %and3A_564 : vector<16xi32>
    %bitcast3A_566 = vector.bitcast %and3A_565 : vector<16xi32> to vector<16xf32>
    %get3A_567 = arith.constant 96 : index
    %get3A_568 = tpu.vector_load %arg11[%get3A_567] {strides = array<i32>} : memref<128xf32, #tpu.memory_space<vmem>>, vector<16xf32>,
    %bitcast3A_569 = vector.bitcast %get3A_568 : vector<16xf32> to vector<16xi32>
    %add3A_570 = arith.constant 32767 : i32
    %add3A_571 = vector.broadcast %add3A_570 : i32 to vector<16xi32>
    %add3A_572 = arith.addi %bitcast3A_569, %add3A_571 : vector<16xi32>
    %shift_right_logical3A_573 = arith.constant 16 : i32
    %shift_right_logical3A_574 = vector.broadcast %shift_right_logical3A_573 : i32 to vector<16xi32>
    %shift_right_logical3A_575 = arith.shrui %bitcast3A_569, %shift_right_logical3A_574 : vector<16xi32>
    %and3A_576 = arith.constant 1 : i32
    %and3A_577 = vector.broadcast %and3A_576 : i32 to vector<16xi32>
    %and3A_578 = arith.andi %shift_right_logical3A_575, %and3A_577 : vector<16xi32>
    %add3A_579 = arith.addi %add3A_572, %and3A_578 : vector<16xi32>
    %and3A_580 = arith.constant -65536 : i32
    %and3A_581 = vector.broadcast %and3A_580 : i32 to vector<16xi32>
    %and3A_582 = arith.andi %add3A_579, %and3A_581 : vector<16xi32>
    %bitcast3A_583 = vector.bitcast %and3A_582 : vector<16xi32> to vector<16xf32>
    %slice3A_584 = vector.extract_strided_slice %bitcast3A_498 {offsets = [0], sizes = [1], strides = [1]} : vector<16xf32> to vector<1xf32>
    %squeeze3A_585 = vector.extract %slice3A_584[0] : f32 from vector<1xf32>
    %slice3A_586 = vector.extract_strided_slice %bitcast3A_498 {offsets = [1], sizes = [1], strides = [1]} : vector<16xf32> to vector<1xf32>
    %squeeze3A_587 = vector.extract %slice3A_586[0] : f32 from vector<1xf32>
    %slice3A_588 = vector.extract_strided_slice %bitcast3A_498 {offsets = [2], sizes = [1], strides = [1]} : vector<16xf32> to vector<1xf32>
    %squeeze3A_589 = vector.extract %slice3A_588[0] : f32 from vector<1xf32>
    %slice3A_590 = vector.extract_strided_slice %bitcast3A_498 {offsets = [3], sizes = [1], strides = [1]} : vector<16xf32> to vector<1xf32>
    %squeeze3A_591 = vector.extract %slice3A_590[0] : f32 from vector<1xf32>
    %slice3A_592 = vector.extract_strided_slice %bitcast3A_498 {offsets = [4], sizes = [1], strides = [1]} : vector<16xf32> to vector<1xf32>
    %squeeze3A_593 = vector.extract %slice3A_592[0] : f32 from vector<1xf32>
    %slice3A_594 = vector.extract_strided_slice %bitcast3A_498 {offsets = [5], sizes = [1], strides = [1]} : vector<16xf32> to vector<1xf32>
    %squeeze3A_595 = vector.extract %slice3A_594[0] : f32 from vector<1xf32>
    %slice3A_596 = vector.extract_strided_slice %bitcast3A_498 {offsets = [6], sizes = [1], strides = [1]} : vector<16xf32> to vector<1xf32>
    %squeeze3A_597 = vector.extract %slice3A_596[0] : f32 from vector<1xf32>
    %slice3A_598 = vector.extract_strided_slice %bitcast3A_498 {offsets = [7], sizes = [1], strides = [1]} : vector<16xf32> to vector<1xf32>
    %squeeze3A_599 = vector.extract %slice3A_598[0] : f32 from vector<1xf32>
    %slice3A_600 = vector.extract_strided_slice %bitcast3A_498 {offsets = [8], sizes = [1], strides = [1]} : vector<16xf32> to vector<1xf32>
    %squeeze3A_601 = vector.extract %slice3A_600[0] : f32 from vector<1xf32>
    %slice3A_602 = vector.extract_strided_slice %bitcast3A_498 {offsets = [9], sizes = [1], strides = [1]} : vector<16xf32> to vector<1xf32>
    %squeeze3A_603 = vector.extract %slice3A_602[0] : f32 from vector<1xf32>
    %slice3A_604 = vector.extract_strided_slice %bitcast3A_498 {offsets = [10], sizes = [1], strides = [1]} : vector<16xf32> to vector<1xf32>
    %squeeze3A_605 = vector.extract %slice3A_604[0] : f32 from vector<1xf32>
    %slice3A_606 = vector.extract_strided_slice %bitcast3A_498 {offsets = [11], sizes = [1], strides = [1]} : vector<16xf32> to vector<1xf32>
    %squeeze3A_607 = vector.extract %slice3A_606[0] : f32 from vector<1xf32>
    %slice3A_608 = vector.extract_strided_slice %bitcast3A_498 {offsets = [12], sizes = [1], strides = [1]} : vector<16xf32> to vector<1xf32>
    %squeeze3A_609 = vector.extract %slice3A_608[0] : f32 from vector<1xf32>
    %slice3A_610 = vector.extract_strided_slice %bitcast3A_498 {offsets = [13], sizes = [1], strides = [1]} : vector<16xf32> to vector<1xf32>
    %squeeze3A_611 = vector.extract %slice3A_610[0] : f32 from vector<1xf32>
    %slice3A_612 = vector.extract_strided_slice %bitcast3A_498 {offsets = [14], sizes = [1], strides = [1]} : vector<16xf32> to vector<1xf32>
    %squeeze3A_613 = vector.extract %slice3A_612[0] : f32 from vector<1xf32>
    %slice3A_614 = vector.extract_strided_slice %bitcast3A_498 {offsets = [15], sizes = [1], strides = [1]} : vector<16xf32> to vector<1xf32>
    %squeeze3A_615 = vector.extract %slice3A_614[0] : f32 from vector<1xf32>
    %slice3A_616 = vector.extract_strided_slice %bitcast3A_515 {offsets = [0], sizes = [1], strides = [1]} : vector<16xf32> to vector<1xf32>
    %squeeze3A_617 = vector.extract %slice3A_616[0] : f32 from vector<1xf32>
    %slice3A_618 = vector.extract_strided_slice %bitcast3A_515 {offsets = [1], sizes = [1], strides = [1]} : vector<16xf32> to vector<1xf32>
    %squeeze3A_619 = vector.extract %slice3A_618[0] : f32 from vector<1xf32>
    %slice3A_620 = vector.extract_strided_slice %bitcast3A_515 {offsets = [2], sizes = [1], strides = [1]} : vector<16xf32> to vector<1xf32>
    %squeeze3A_621 = vector.extract %slice3A_620[0] : f32 from vector<1xf32>
    %slice3A_622 = vector.extract_strided_slice %bitcast3A_515 {offsets = [3], sizes = [1], strides = [1]} : vector<16xf32> to vector<1xf32>
    %squeeze3A_623 = vector.extract %slice3A_622[0] : f32 from vector<1xf32>
    %slice3A_624 = vector.extract_strided_slice %bitcast3A_515 {offsets = [4], sizes = [1], strides = [1]} : vector<16xf32> to vector<1xf32>
    %squeeze3A_625 = vector.extract %slice3A_624[0] : f32 from vector<1xf32>
    %slice3A_626 = vector.extract_strided_slice %bitcast3A_515 {offsets = [5], sizes = [1], strides = [1]} : vector<16xf32> to vector<1xf32>
    %squeeze3A_627 = vector.extract %slice3A_626[0] : f32 from vector<1xf32>
    %slice3A_628 = vector.extract_strided_slice %bitcast3A_515 {offsets = [6], sizes = [1], strides = [1]} : vector<16xf32> to vector<1xf32>
    %squeeze3A_629 = vector.extract %slice3A_628[0] : f32 from vector<1xf32>
    %slice3A_630 = vector.extract_strided_slice %bitcast3A_515 {offsets = [7], sizes = [1], strides = [1]} : vector<16xf32> to vector<1xf32>
    %squeeze3A_631 = vector.extract %slice3A_630[0] : f32 from vector<1xf32>
    %slice3A_632 = vector.extract_strided_slice %bitcast3A_515 {offsets = [8], sizes = [1], strides = [1]} : vector<16xf32> to vector<1xf32>
    %squeeze3A_633 = vector.extract %slice3A_632[0] : f32 from vector<1xf32>
    %slice3A_634 = vector.extract_strided_slice %bitcast3A_515 {offsets = [9], sizes = [1], strides = [1]} : vector<16xf32> to vector<1xf32>
    %squeeze3A_635 = vector.extract %slice3A_634[0] : f32 from vector<1xf32>
    %slice3A_636 = vector.extract_strided_slice %bitcast3A_515 {offsets = [10], sizes = [1], strides = [1]} : vector<16xf32> to vector<1xf32>
    %squeeze3A_637 = vector.extract %slice3A_636[0] : f32 from vector<1xf32>
    %slice3A_638 = vector.extract_strided_slice %bitcast3A_515 {offsets = [11], sizes = [1], strides = [1]} : vector<16xf32> to vector<1xf32>
    %squeeze3A_639 = vector.extract %slice3A_638[0] : f32 from vector<1xf32>
    %slice3A_640 = vector.extract_strided_slice %bitcast3A_515 {offsets = [12], sizes = [1], strides = [1]} : vector<16xf32> to vector<1xf32>
    %squeeze3A_641 = vector.extract %slice3A_640[0] : f32 from vector<1xf32>
    %slice3A_642 = vector.extract_strided_slice %bitcast3A_515 {offsets = [13], sizes = [1], strides = [1]} : vector<16xf32> to vector<1xf32>
    %squeeze3A_643 = vector.extract %slice3A_642[0] : f32 from vector<1xf32>
    %slice3A_644 = vector.extract_strided_slice %bitcast3A_515 {offsets = [14], sizes = [1], strides = [1]} : vector<16xf32> to vector<1xf32>
    %squeeze3A_645 = vector.extract %slice3A_644[0] : f32 from vector<1xf32>
    %slice3A_646 = vector.extract_strided_slice %bitcast3A_515 {offsets = [15], sizes = [1], strides = [1]} : vector<16xf32> to vector<1xf32>
    %squeeze3A_647 = vector.extract %slice3A_646[0] : f32 from vector<1xf32>
    %slice3A_648 = vector.extract_strided_slice %bitcast3A_532 {offsets = [0], sizes = [1], strides = [1]} : vector<16xf32> to vector<1xf32>
    %squeeze3A_649 = vector.extract %slice3A_648[0] : f32 from vector<1xf32>
    %slice3A_650 = vector.extract_strided_slice %bitcast3A_532 {offsets = [1], sizes = [1], strides = [1]} : vector<16xf32> to vector<1xf32>
    %squeeze3A_651 = vector.extract %slice3A_650[0] : f32 from vector<1xf32>
    %slice3A_652 = vector.extract_strided_slice %bitcast3A_532 {offsets = [2], sizes = [1], strides = [1]} : vector<16xf32> to vector<1xf32>
    %squeeze3A_653 = vector.extract %slice3A_652[0] : f32 from vector<1xf32>
    %slice3A_654 = vector.extract_strided_slice %bitcast3A_532 {offsets = [3], sizes = [1], strides = [1]} : vector<16xf32> to vector<1xf32>
    %squeeze3A_655 = vector.extract %slice3A_654[0] : f32 from vector<1xf32>
    %slice3A_656 = vector.extract_strided_slice %bitcast3A_549 {offsets = [0], sizes = [1], strides = [1]} : vector<16xf32> to vector<1xf32>
    %squeeze3A_657 = vector.extract %slice3A_656[0] : f32 from vector<1xf32>
    %slice3A_658 = vector.extract_strided_slice %bitcast3A_549 {offsets = [1], sizes = [1], strides = [1]} : vector<16xf32> to vector<1xf32>
    %squeeze3A_659 = vector.extract %slice3A_658[0] : f32 from vector<1xf32>
    %slice3A_660 = vector.extract_strided_slice %bitcast3A_549 {offsets = [2], sizes = [1], strides = [1]} : vector<16xf32> to vector<1xf32>
    %squeeze3A_661 = vector.extract %slice3A_660[0] : f32 from vector<1xf32>
    %slice3A_662 = vector.extract_strided_slice %bitcast3A_549 {offsets = [3], sizes = [1], strides = [1]} : vector<16xf32> to vector<1xf32>
    %squeeze3A_663 = vector.extract %slice3A_662[0] : f32 from vector<1xf32>
    %slice3A_664 = vector.extract_strided_slice %bitcast3A_549 {offsets = [4], sizes = [1], strides = [1]} : vector<16xf32> to vector<1xf32>
    %squeeze3A_665 = vector.extract %slice3A_664[0] : f32 from vector<1xf32>
    %slice3A_666 = vector.extract_strided_slice %bitcast3A_549 {offsets = [5], sizes = [1], strides = [1]} : vector<16xf32> to vector<1xf32>
    %squeeze3A_667 = vector.extract %slice3A_666[0] : f32 from vector<1xf32>
    %slice3A_668 = vector.extract_strided_slice %bitcast3A_549 {offsets = [6], sizes = [1], strides = [1]} : vector<16xf32> to vector<1xf32>
    %squeeze3A_669 = vector.extract %slice3A_668[0] : f32 from vector<1xf32>
    %slice3A_670 = vector.extract_strided_slice %bitcast3A_549 {offsets = [7], sizes = [1], strides = [1]} : vector<16xf32> to vector<1xf32>
    %squeeze3A_671 = vector.extract %slice3A_670[0] : f32 from vector<1xf32>
    %slice3A_672 = vector.extract_strided_slice %bitcast3A_549 {offsets = [8], sizes = [1], strides = [1]} : vector<16xf32> to vector<1xf32>
    %squeeze3A_673 = vector.extract %slice3A_672[0] : f32 from vector<1xf32>
    %slice3A_674 = vector.extract_strided_slice %bitcast3A_549 {offsets = [9], sizes = [1], strides = [1]} : vector<16xf32> to vector<1xf32>
    %squeeze3A_675 = vector.extract %slice3A_674[0] : f32 from vector<1xf32>
    %slice3A_676 = vector.extract_strided_slice %bitcast3A_549 {offsets = [10], sizes = [1], strides = [1]} : vector<16xf32> to vector<1xf32>
    %squeeze3A_677 = vector.extract %slice3A_676[0] : f32 from vector<1xf32>
    %slice3A_678 = vector.extract_strided_slice %bitcast3A_549 {offsets = [11], sizes = [1], strides = [1]} : vector<16xf32> to vector<1xf32>
    %squeeze3A_679 = vector.extract %slice3A_678[0] : f32 from vector<1xf32>
    %slice3A_680 = vector.extract_strided_slice %bitcast3A_549 {offsets = [12], sizes = [1], strides = [1]} : vector<16xf32> to vector<1xf32>
    %squeeze3A_681 = vector.extract %slice3A_680[0] : f32 from vector<1xf32>
    %slice3A_682 = vector.extract_strided_slice %bitcast3A_549 {offsets = [13], sizes = [1], strides = [1]} : vector<16xf32> to vector<1xf32>
    %squeeze3A_683 = vector.extract %slice3A_682[0] : f32 from vector<1xf32>
    %slice3A_684 = vector.extract_strided_slice %bitcast3A_549 {offsets = [14], sizes = [1], strides = [1]} : vector<16xf32> to vector<1xf32>
    %squeeze3A_685 = vector.extract %slice3A_684[0] : f32 from vector<1xf32>
    %slice3A_686 = vector.extract_strided_slice %bitcast3A_549 {offsets = [15], sizes = [1], strides = [1]} : vector<16xf32> to vector<1xf32>
    %squeeze3A_687 = vector.extract %slice3A_686[0] : f32 from vector<1xf32>
    %slice3A_688 = vector.extract_strided_slice %bitcast3A_566 {offsets = [0], sizes = [1], strides = [1]} : vector<16xf32> to vector<1xf32>
    %squeeze3A_689 = vector.extract %slice3A_688[0] : f32 from vector<1xf32>
    %slice3A_690 = vector.extract_strided_slice %bitcast3A_566 {offsets = [1], sizes = [1], strides = [1]} : vector<16xf32> to vector<1xf32>
    %squeeze3A_691 = vector.extract %slice3A_690[0] : f32 from vector<1xf32>
    %slice3A_692 = vector.extract_strided_slice %bitcast3A_566 {offsets = [2], sizes = [1], strides = [1]} : vector<16xf32> to vector<1xf32>
    %squeeze3A_693 = vector.extract %slice3A_692[0] : f32 from vector<1xf32>
    %slice3A_694 = vector.extract_strided_slice %bitcast3A_566 {offsets = [3], sizes = [1], strides = [1]} : vector<16xf32> to vector<1xf32>
    %squeeze3A_695 = vector.extract %slice3A_694[0] : f32 from vector<1xf32>
    %slice3A_696 = vector.extract_strided_slice %bitcast3A_566 {offsets = [4], sizes = [1], strides = [1]} : vector<16xf32> to vector<1xf32>
    %squeeze3A_697 = vector.extract %slice3A_696[0] : f32 from vector<1xf32>
    %slice3A_698 = vector.extract_strided_slice %bitcast3A_566 {offsets = [5], sizes = [1], strides = [1]} : vector<16xf32> to vector<1xf32>
    %squeeze3A_699 = vector.extract %slice3A_698[0] : f32 from vector<1xf32>
    %slice3A_700 = vector.extract_strided_slice %bitcast3A_566 {offsets = [6], sizes = [1], strides = [1]} : vector<16xf32> to vector<1xf32>
    %squeeze3A_701 = vector.extract %slice3A_700[0] : f32 from vector<1xf32>
    %slice3A_702 = vector.extract_strided_slice %bitcast3A_566 {offsets = [7], sizes = [1], strides = [1]} : vector<16xf32> to vector<1xf32>
    %squeeze3A_703 = vector.extract %slice3A_702[0] : f32 from vector<1xf32>
    %slice3A_704 = vector.extract_strided_slice %bitcast3A_566 {offsets = [8], sizes = [1], strides = [1]} : vector<16xf32> to vector<1xf32>
    %squeeze3A_705 = vector.extract %slice3A_704[0] : f32 from vector<1xf32>
    %slice3A_706 = vector.extract_strided_slice %bitcast3A_566 {offsets = [9], sizes = [1], strides = [1]} : vector<16xf32> to vector<1xf32>
    %squeeze3A_707 = vector.extract %slice3A_706[0] : f32 from vector<1xf32>
    %slice3A_708 = vector.extract_strided_slice %bitcast3A_566 {offsets = [10], sizes = [1], strides = [1]} : vector<16xf32> to vector<1xf32>
    %squeeze3A_709 = vector.extract %slice3A_708[0] : f32 from vector<1xf32>
    %slice3A_710 = vector.extract_strided_slice %bitcast3A_566 {offsets = [11], sizes = [1], strides = [1]} : vector<16xf32> to vector<1xf32>
    %squeeze3A_711 = vector.extract %slice3A_710[0] : f32 from vector<1xf32>
    %slice3A_712 = vector.extract_strided_slice %bitcast3A_566 {offsets = [12], sizes = [1], strides = [1]} : vector<16xf32> to vector<1xf32>
    %squeeze3A_713 = vector.extract %slice3A_712[0] : f32 from vector<1xf32>
    %slice3A_714 = vector.extract_strided_slice %bitcast3A_566 {offsets = [13], sizes = [1], strides = [1]} : vector<16xf32> to vector<1xf32>
    %squeeze3A_715 = vector.extract %slice3A_714[0] : f32 from vector<1xf32>
    %slice3A_716 = vector.extract_strided_slice %bitcast3A_566 {offsets = [14], sizes = [1], strides = [1]} : vector<16xf32> to vector<1xf32>
    %squeeze3A_717 = vector.extract %slice3A_716[0] : f32 from vector<1xf32>
    %slice3A_718 = vector.extract_strided_slice %bitcast3A_566 {offsets = [15], sizes = [1], strides = [1]} : vector<16xf32> to vector<1xf32>
    %squeeze3A_719 = vector.extract %slice3A_718[0] : f32 from vector<1xf32>
    %slice3A_720 = vector.extract_strided_slice %bitcast3A_583 {offsets = [0], sizes = [1], strides = [1]} : vector<16xf32> to vector<1xf32>
    %squeeze3A_721 = vector.extract %slice3A_720[0] : f32 from vector<1xf32>
    %slice3A_722 = vector.extract_strided_slice %bitcast3A_583 {offsets = [1], sizes = [1], strides = [1]} : vector<16xf32> to vector<1xf32>
    %squeeze3A_723 = vector.extract %slice3A_722[0] : f32 from vector<1xf32>
    %slice3A_724 = vector.extract_strided_slice %bitcast3A_583 {offsets = [2], sizes = [1], strides = [1]} : vector<16xf32> to vector<1xf32>
    %squeeze3A_725 = vector.extract %slice3A_724[0] : f32 from vector<1xf32>
    %slice3A_726 = vector.extract_strided_slice %bitcast3A_583 {offsets = [3], sizes = [1], strides = [1]} : vector<16xf32> to vector<1xf32>
    %squeeze3A_727 = vector.extract %slice3A_726[0] : f32 from vector<1xf32>
    %iota3A = tpu.iota {dimensions = array<i32: 0>} : vector<16xi32>
    %dma_wait3A = tpu.memref_slice %arg5[%mul3A_2] : memref<1179648xf32, #tpu.memory_space<hbm>> -> memref<36864xf32, #tpu.memory_space<hbm>>
    %dma_wait3A_728 = tpu.memref_slice %arg5[%mul3A_2] : memref<1179648xf32, #tpu.memory_space<hbm>> -> memref<36864xf32, #tpu.memory_space<hbm>>
    tpu.wait_dma2 semaphore(%arg14 : memref<!tpu.dma_semaphore, #tpu.memory_space<semaphore_mem>>) src(%dma_wait3A_728 : memref<36864xf32, #tpu.memory_space<hbm>>) dst(%arg8 : memref<36864xf32, #tpu.memory_space<vmem>>)
    %scan3A = arith.constant 0 : i32
    %scan3A_729 = arith.constant 0 : i32
    %scan3A_730 = arith.constant 288 : i32
    %scan3A_731 = arith.addi %scan3A_729, %scan3A_730 : i32
    %scan3A_732 = arith.constant 1 : i32
    %scan3A_733 = scf.for %scan3A_748 = %scan3A_729 to %scan3A_731 step %scan3A_732 iter_args(%scan3A_749 = %scan3A) -> (i32)  : i32 {
      %mul3A_750 = arith.constant 128 : i32
      %mul3A_751 = arith.muli %scan3A_748, %mul3A_750 : i32
      %add3A_752 = arith.constant 0 : i32
      %add3A_753 = arith.addi %mul3A_751, %add3A_752 : i32
      %get3A_754 = arith.index_cast %add3A_753 : i32 to index
      %get3A_755 = tpu.vector_load %arg8[%get3A_754] {strides = array<i32>} : memref<36864xf32, #tpu.memory_space<vmem>>, vector<16xf32>,
      %bitcast3A_756 = vector.bitcast %get3A_755 : vector<16xf32> to vector<16xi32>
      %add3A_757 = arith.constant 32767 : i32
      %add3A_758 = vector.broadcast %add3A_757 : i32 to vector<16xi32>
      %add3A_759 = arith.addi %bitcast3A_756, %add3A_758 : vector<16xi32>
      %shift_right_logical3A_760 = arith.constant 16 : i32
      %shift_right_logical3A_761 = vector.broadcast %shift_right_logical3A_760 : i32 to vector<16xi32>
      %shift_right_logical3A_762 = arith.shrui %bitcast3A_756, %shift_right_logical3A_761 : vector<16xi32>
      %and3A_763 = arith.constant 1 : i32
      %and3A_764 = vector.broadcast %and3A_763 : i32 to vector<16xi32>
      %and3A_765 = arith.andi %shift_right_logical3A_762, %and3A_764 : vector<16xi32>
      %add3A_766 = arith.addi %add3A_759, %and3A_765 : vector<16xi32>
      %and3A_767 = arith.constant -65536 : i32
      %and3A_768 = vector.broadcast %and3A_767 : i32 to vector<16xi32>
      %and3A_769 = arith.andi %add3A_766, %and3A_768 : vector<16xi32>
      %bitcast3A_770 = vector.bitcast %and3A_769 : vector<16xi32> to vector<16xf32>
      %swap3A_771 = arith.index_cast %add3A_753 : i32 to index
      %swap3A_772 = tpu.vector_load %arg8[%swap3A_771] {strides = array<i32>} : memref<36864xf32, #tpu.memory_space<vmem>>, vector<16xf32>,
      tpu.vector_store %arg8[%swap3A_771], %bitcast3A_770 {strides = array<i32>} : memref<36864xf32, #tpu.memory_space<vmem>>, vector<16xf32>,
      %mul3A_773 = arith.constant 128 : i32
      %mul3A_774 = arith.muli %scan3A_748, %mul3A_773 : i32
      %add3A_775 = arith.constant 16 : i32
      %add3A_776 = arith.addi %mul3A_774, %add3A_775 : i32
      %get3A_777 = arith.index_cast %add3A_776 : i32 to index
      %get3A_778 = tpu.vector_load %arg8[%get3A_777] {strides = array<i32>} : memref<36864xf32, #tpu.memory_space<vmem>>, vector<16xf32>,
      %bitcast3A_779 = vector.bitcast %get3A_778 : vector<16xf32> to vector<16xi32>
      %add3A_780 = arith.constant 32767 : i32
      %add3A_781 = vector.broadcast %add3A_780 : i32 to vector<16xi32>
      %add3A_782 = arith.addi %bitcast3A_779, %add3A_781 : vector<16xi32>
      %shift_right_logical3A_783 = arith.constant 16 : i32
      %shift_right_logical3A_784 = vector.broadcast %shift_right_logical3A_783 : i32 to vector<16xi32>
      %shift_right_logical3A_785 = arith.shrui %bitcast3A_779, %shift_right_logical3A_784 : vector<16xi32>
      %and3A_786 = arith.constant 1 : i32
      %and3A_787 = vector.broadcast %and3A_786 : i32 to vector<16xi32>
      %and3A_788 = arith.andi %shift_right_logical3A_785, %and3A_787 : vector<16xi32>
      %add3A_789 = arith.addi %add3A_782, %and3A_788 : vector<16xi32>
      %and3A_790 = arith.constant -65536 : i32
      %and3A_791 = vector.broadcast %and3A_790 : i32 to vector<16xi32>
      %and3A_792 = arith.andi %add3A_789, %and3A_791 : vector<16xi32>
      %bitcast3A_793 = vector.bitcast %and3A_792 : vector<16xi32> to vector<16xf32>
      %swap3A_794 = arith.index_cast %add3A_776 : i32 to index
      %swap3A_795 = tpu.vector_load %arg8[%swap3A_794] {strides = array<i32>} : memref<36864xf32, #tpu.memory_space<vmem>>, vector<16xf32>,
      tpu.vector_store %arg8[%swap3A_794], %bitcast3A_793 {strides = array<i32>} : memref<36864xf32, #tpu.memory_space<vmem>>, vector<16xf32>,
      %mul3A_796 = arith.constant 128 : i32
      %mul3A_797 = arith.muli %scan3A_748, %mul3A_796 : i32
      %add3A_798 = arith.constant 32 : i32
      %add3A_799 = arith.addi %mul3A_797, %add3A_798 : i32
      %get3A_800 = arith.index_cast %add3A_799 : i32 to index
      %get3A_801 = tpu.vector_load %arg8[%get3A_800] {strides = array<i32>} : memref<36864xf32, #tpu.memory_space<vmem>>, vector<16xf32>,
      %bitcast3A_802 = vector.bitcast %get3A_801 : vector<16xf32> to vector<16xi32>
      %add3A_803 = arith.constant 32767 : i32
      %add3A_804 = vector.broadcast %add3A_803 : i32 to vector<16xi32>
      %add3A_805 = arith.addi %bitcast3A_802, %add3A_804 : vector<16xi32>
      %shift_right_logical3A_806 = arith.constant 16 : i32
      %shift_right_logical3A_807 = vector.broadcast %shift_right_logical3A_806 : i32 to vector<16xi32>
      %shift_right_logical3A_808 = arith.shrui %bitcast3A_802, %shift_right_logical3A_807 : vector<16xi32>
      %and3A_809 = arith.constant 1 : i32
      %and3A_810 = vector.broadcast %and3A_809 : i32 to vector<16xi32>
      %and3A_811 = arith.andi %shift_right_logical3A_808, %and3A_810 : vector<16xi32>
      %add3A_812 = arith.addi %add3A_805, %and3A_811 : vector<16xi32>
      %and3A_813 = arith.constant -65536 : i32
      %and3A_814 = vector.broadcast %and3A_813 : i32 to vector<16xi32>
      %and3A_815 = arith.andi %add3A_812, %and3A_814 : vector<16xi32>
      %bitcast3A_816 = vector.bitcast %and3A_815 : vector<16xi32> to vector<16xf32>
      %swap3A_817 = arith.index_cast %add3A_799 : i32 to index
      %swap3A_818 = tpu.vector_load %arg8[%swap3A_817] {strides = array<i32>} : memref<36864xf32, #tpu.memory_space<vmem>>, vector<16xf32>,
      tpu.vector_store %arg8[%swap3A_817], %bitcast3A_816 {strides = array<i32>} : memref<36864xf32, #tpu.memory_space<vmem>>, vector<16xf32>,
      %mul3A_819 = arith.constant 128 : i32
      %mul3A_820 = arith.muli %scan3A_748, %mul3A_819 : i32
      %add3A_821 = arith.constant 48 : i32
      %add3A_822 = arith.addi %mul3A_820, %add3A_821 : i32
      %get3A_823 = arith.index_cast %add3A_822 : i32 to index
      %get3A_824 = tpu.vector_load %arg8[%get3A_823] {strides = array<i32>} : memref<36864xf32, #tpu.memory_space<vmem>>, vector<16xf32>,
      %bitcast3A_825 = vector.bitcast %get3A_824 : vector<16xf32> to vector<16xi32>
      %add3A_826 = arith.constant 32767 : i32
      %add3A_827 = vector.broadcast %add3A_826 : i32 to vector<16xi32>
      %add3A_828 = arith.addi %bitcast3A_825, %add3A_827 : vector<16xi32>
      %shift_right_logical3A_829 = arith.constant 16 : i32
      %shift_right_logical3A_830 = vector.broadcast %shift_right_logical3A_829 : i32 to vector<16xi32>
      %shift_right_logical3A_831 = arith.shrui %bitcast3A_825, %shift_right_logical3A_830 : vector<16xi32>
      %and3A_832 = arith.constant 1 : i32
      %and3A_833 = vector.broadcast %and3A_832 : i32 to vector<16xi32>
      %and3A_834 = arith.andi %shift_right_logical3A_831, %and3A_833 : vector<16xi32>
      %add3A_835 = arith.addi %add3A_828, %and3A_834 : vector<16xi32>
      %and3A_836 = arith.constant -65536 : i32
      %and3A_837 = vector.broadcast %and3A_836 : i32 to vector<16xi32>
      %and3A_838 = arith.andi %add3A_835, %and3A_837 : vector<16xi32>
      %bitcast3A_839 = vector.bitcast %and3A_838 : vector<16xi32> to vector<16xf32>
      %swap3A_840 = arith.index_cast %add3A_822 : i32 to index
      %swap3A_841 = tpu.vector_load %arg8[%swap3A_840] {strides = array<i32>} : memref<36864xf32, #tpu.memory_space<vmem>>, vector<16xf32>,
      tpu.vector_store %arg8[%swap3A_840], %bitcast3A_839 {strides = array<i32>} : memref<36864xf32, #tpu.memory_space<vmem>>, vector<16xf32>,
      %mul3A_842 = arith.constant 128 : i32
      %mul3A_843 = arith.muli %scan3A_748, %mul3A_842 : i32
      %add3A_844 = arith.constant 64 : i32
      %add3A_845 = arith.addi %mul3A_843, %add3A_844 : i32
      %get3A_846 = arith.index_cast %add3A_845 : i32 to index
      %get3A_847 = tpu.vector_load %arg8[%get3A_846] {strides = array<i32>} : memref<36864xf32, #tpu.memory_space<vmem>>, vector<16xf32>,
      %bitcast3A_848 = vector.bitcast %get3A_847 : vector<16xf32> to vector<16xi32>
      %add3A_849 = arith.constant 32767 : i32
      %add3A_850 = vector.broadcast %add3A_849 : i32 to vector<16xi32>
      %add3A_851 = arith.addi %bitcast3A_848, %add3A_850 : vector<16xi32>
      %shift_right_logical3A_852 = arith.constant 16 : i32
      %shift_right_logical3A_853 = vector.broadcast %shift_right_logical3A_852 : i32 to vector<16xi32>
      %shift_right_logical3A_854 = arith.shrui %bitcast3A_848, %shift_right_logical3A_853 : vector<16xi32>
      %and3A_855 = arith.constant 1 : i32
      %and3A_856 = vector.broadcast %and3A_855 : i32 to vector<16xi32>
      %and3A_857 = arith.andi %shift_right_logical3A_854, %and3A_856 : vector<16xi32>
      %add3A_858 = arith.addi %add3A_851, %and3A_857 : vector<16xi32>
      %and3A_859 = arith.constant -65536 : i32
      %and3A_860 = vector.broadcast %and3A_859 : i32 to vector<16xi32>
      %and3A_861 = arith.andi %add3A_858, %and3A_860 : vector<16xi32>
      %bitcast3A_862 = vector.bitcast %and3A_861 : vector<16xi32> to vector<16xf32>
      %swap3A_863 = arith.index_cast %add3A_845 : i32 to index
      %swap3A_864 = tpu.vector_load %arg8[%swap3A_863] {strides = array<i32>} : memref<36864xf32, #tpu.memory_space<vmem>>, vector<16xf32>,
      tpu.vector_store %arg8[%swap3A_863], %bitcast3A_862 {strides = array<i32>} : memref<36864xf32, #tpu.memory_space<vmem>>, vector<16xf32>,
      %mul3A_865 = arith.constant 128 : i32
      %mul3A_866 = arith.muli %scan3A_748, %mul3A_865 : i32
      %add3A_867 = arith.constant 80 : i32
      %add3A_868 = arith.addi %mul3A_866, %add3A_867 : i32
      %get3A_869 = arith.index_cast %add3A_868 : i32 to index
      %get3A_870 = tpu.vector_load %arg8[%get3A_869] {strides = array<i32>} : memref<36864xf32, #tpu.memory_space<vmem>>, vector<16xf32>,
      %bitcast3A_871 = vector.bitcast %get3A_870 : vector<16xf32> to vector<16xi32>
      %add3A_872 = arith.constant 32767 : i32
      %add3A_873 = vector.broadcast %add3A_872 : i32 to vector<16xi32>
      %add3A_874 = arith.addi %bitcast3A_871, %add3A_873 : vector<16xi32>
      %shift_right_logical3A_875 = arith.constant 16 : i32
      %shift_right_logical3A_876 = vector.broadcast %shift_right_logical3A_875 : i32 to vector<16xi32>
      %shift_right_logical3A_877 = arith.shrui %bitcast3A_871, %shift_right_logical3A_876 : vector<16xi32>
      %and3A_878 = arith.constant 1 : i32
      %and3A_879 = vector.broadcast %and3A_878 : i32 to vector<16xi32>
      %and3A_880 = arith.andi %shift_right_logical3A_877, %and3A_879 : vector<16xi32>
      %add3A_881 = arith.addi %add3A_874, %and3A_880 : vector<16xi32>
      %and3A_882 = arith.constant -65536 : i32
      %and3A_883 = vector.broadcast %and3A_882 : i32 to vector<16xi32>
      %and3A_884 = arith.andi %add3A_881, %and3A_883 : vector<16xi32>
      %bitcast3A_885 = vector.bitcast %and3A_884 : vector<16xi32> to vector<16xf32>
      %swap3A_886 = arith.index_cast %add3A_868 : i32 to index
      %swap3A_887 = tpu.vector_load %arg8[%swap3A_886] {strides = array<i32>} : memref<36864xf32, #tpu.memory_space<vmem>>, vector<16xf32>,
      tpu.vector_store %arg8[%swap3A_886], %bitcast3A_885 {strides = array<i32>} : memref<36864xf32, #tpu.memory_space<vmem>>, vector<16xf32>,
      %mul3A_888 = arith.constant 128 : i32
      %mul3A_889 = arith.muli %scan3A_748, %mul3A_888 : i32
      %add3A_890 = arith.constant 96 : i32
      %add3A_891 = arith.addi %mul3A_889, %add3A_890 : i32
      %get3A_892 = arith.index_cast %add3A_891 : i32 to index
      %get3A_893 = tpu.vector_load %arg8[%get3A_892] {strides = array<i32>} : memref<36864xf32, #tpu.memory_space<vmem>>, vector<16xf32>,
      %bitcast3A_894 = vector.bitcast %get3A_893 : vector<16xf32> to vector<16xi32>
      %add3A_895 = arith.constant 32767 : i32
      %add3A_896 = vector.broadcast %add3A_895 : i32 to vector<16xi32>
      %add3A_897 = arith.addi %bitcast3A_894, %add3A_896 : vector<16xi32>
      %shift_right_logical3A_898 = arith.constant 16 : i32
      %shift_right_logical3A_899 = vector.broadcast %shift_right_logical3A_898 : i32 to vector<16xi32>
      %shift_right_logical3A_900 = arith.shrui %bitcast3A_894, %shift_right_logical3A_899 : vector<16xi32>
      %and3A_901 = arith.constant 1 : i32
      %and3A_902 = vector.broadcast %and3A_901 : i32 to vector<16xi32>
      %and3A_903 = arith.andi %shift_right_logical3A_900, %and3A_902 : vector<16xi32>
      %add3A_904 = arith.addi %add3A_897, %and3A_903 : vector<16xi32>
      %and3A_905 = arith.constant -65536 : i32
      %and3A_906 = vector.broadcast %and3A_905 : i32 to vector<16xi32>
      %and3A_907 = arith.andi %add3A_904, %and3A_906 : vector<16xi32>
      %bitcast3A_908 = vector.bitcast %and3A_907 : vector<16xi32> to vector<16xf32>
      %swap3A_909 = arith.index_cast %add3A_891 : i32 to index
      %swap3A_910 = tpu.vector_load %arg8[%swap3A_909] {strides = array<i32>} : memref<36864xf32, #tpu.memory_space<vmem>>, vector<16xf32>,
      tpu.vector_store %arg8[%swap3A_909], %bitcast3A_908 {strides = array<i32>} : memref<36864xf32, #tpu.memory_space<vmem>>, vector<16xf32>,
      %mul3A_911 = arith.constant 128 : i32
      %mul3A_912 = arith.muli %scan3A_748, %mul3A_911 : i32
      %add3A_913 = arith.constant 112 : i32
      %add3A_914 = arith.addi %mul3A_912, %add3A_913 : i32
      %get3A_915 = arith.index_cast %add3A_914 : i32 to index
      %get3A_916 = tpu.vector_load %arg8[%get3A_915] {strides = array<i32>} : memref<36864xf32, #tpu.memory_space<vmem>>, vector<16xf32>,
      %bitcast3A_917 = vector.bitcast %get3A_916 : vector<16xf32> to vector<16xi32>
      %add3A_918 = arith.constant 32767 : i32
      %add3A_919 = vector.broadcast %add3A_918 : i32 to vector<16xi32>
      %add3A_920 = arith.addi %bitcast3A_917, %add3A_919 : vector<16xi32>
      %shift_right_logical3A_921 = arith.constant 16 : i32
      %shift_right_logical3A_922 = vector.broadcast %shift_right_logical3A_921 : i32 to vector<16xi32>
      %shift_right_logical3A_923 = arith.shrui %bitcast3A_917, %shift_right_logical3A_922 : vector<16xi32>
      %and3A_924 = arith.constant 1 : i32
      %and3A_925 = vector.broadcast %and3A_924 : i32 to vector<16xi32>
      %and3A_926 = arith.andi %shift_right_logical3A_923, %and3A_925 : vector<16xi32>
      %add3A_927 = arith.addi %add3A_920, %and3A_926 : vector<16xi32>
      %and3A_928 = arith.constant -65536 : i32
      %and3A_929 = vector.broadcast %and3A_928 : i32 to vector<16xi32>
      %and3A_930 = arith.andi %add3A_927, %and3A_929 : vector<16xi32>
      %bitcast3A_931 = vector.bitcast %and3A_930 : vector<16xi32> to vector<16xf32>
      %swap3A_932 = arith.index_cast %add3A_914 : i32 to index
      %swap3A_933 = tpu.vector_load %arg8[%swap3A_932] {strides = array<i32>} : memref<36864xf32, #tpu.memory_space<vmem>>, vector<16xf32>,
      tpu.vector_store %arg8[%swap3A_932], %bitcast3A_931 {strides = array<i32>} : memref<36864xf32, #tpu.memory_space<vmem>>, vector<16xf32>,
      %scan3A_934 = arith.constant 0 : i32
      scf.yield %scan3A_934 : i32
    }
    %scan3A_734 = arith.constant 288 : i32
    %broadcast_in_dim3A_735 = arith.constant 0xFF800000 : f32
    %broadcast_in_dim3A_736 = vector.broadcast %broadcast_in_dim3A_735 : f32 to vector<16xf32>
    %broadcast_in_dim3A_737 = arith.constant 0 : i32
    %broadcast_in_dim3A_738 = vector.broadcast %broadcast_in_dim3A_737 : i32 to vector<16xi32>
    %scan3A_739 = arith.constant 0 : i32
    %scan3A_740 = arith.constant 64 : i32
    %scan3A_741 = arith.addi %scan3A_739, %scan3A_740 : i32
    %scan3A_742 = arith.constant 1 : i32
    %scan3A_743:2 = scf.for %scan3A_748 = %scan3A_739 to %scan3A_741 step %scan3A_742 iter_args(%scan3A_749 = %broadcast_in_dim3A_736, %scan3A_750 = %broadcast_in_dim3A_738) -> (vector<16xf32>, vector<16xi32>)  : i32 {
      %mul3A_751 = arith.constant 16 : i32
      %mul3A_752 = arith.muli %scan3A_748, %mul3A_751 : i32
      %add3A_753 = vector.broadcast %mul3A_752 : i32 to vector<16xi32>
      %add3A_754 = arith.addi %add3A_753, %iota3A : vector<16xi32>
      %mul3A_755 = arith.constant 36 : i32
      %mul3A_756 = vector.broadcast %mul3A_755 : i32 to vector<16xi32>
      %mul3A_757 = arith.muli %add3A_754, %mul3A_756 : vector<16xi32>
      %broadcast_in_dim3A_758 = arith.constant 0.000000e+00 : f32
      %broadcast_in_dim3A_759 = vector.broadcast %broadcast_in_dim3A_758 : f32 to vector<16xf32>
      %broadcast_in_dim3A_760 = arith.constant 0.000000e+00 : f32
      %broadcast_in_dim3A_761 = vector.broadcast %broadcast_in_dim3A_760 : f32 to vector<16xf32>
      %add3A_762 = arith.constant 0 : i32
      %add3A_763 = vector.broadcast %add3A_762 : i32 to vector<16xi32>
      %add3A_764 = arith.addi %mul3A_757, %add3A_763 : vector<16xi32>
      %gather3A = tpu.vector_load_idx %arg8[%add3A_764] : memref<36864xf32, #tpu.memory_space<vmem>>[vector<16xi32>], vector<16xf32>,
      %mul3A_765 = vector.broadcast %squeeze3A_585 : f32 to vector<16xf32>
      %mul3A_766 = arith.mulf %gather3A, %mul3A_765 : vector<16xf32>
      %add3A_767 = arith.addf %broadcast_in_dim3A_759, %mul3A_766 : vector<16xf32>
      %mul3A_768 = vector.broadcast %squeeze3A_657 : f32 to vector<16xf32>
      %mul3A_769 = arith.mulf %gather3A, %mul3A_768 : vector<16xf32>
      %add3A_770 = arith.addf %broadcast_in_dim3A_761, %mul3A_769 : vector<16xf32>
      %add3A_771 = arith.constant 1 : i32
      %add3A_772 = vector.broadcast %add3A_771 : i32 to vector<16xi32>
      %add3A_773 = arith.addi %mul3A_757, %add3A_772 : vector<16xi32>
      %gather3A_774 = tpu.vector_load_idx %arg8[%add3A_773] : memref<36864xf32, #tpu.memory_space<vmem>>[vector<16xi32>], vector<16xf32>,
      %mul3A_775 = vector.broadcast %squeeze3A_587 : f32 to vector<16xf32>
      %mul3A_776 = arith.mulf %gather3A_774, %mul3A_775 : vector<16xf32>
      %add3A_777 = arith.addf %add3A_767, %mul3A_776 : vector<16xf32>
      %mul3A_778 = vector.broadcast %squeeze3A_659 : f32 to vector<16xf32>
      %mul3A_779 = arith.mulf %gather3A_774, %mul3A_778 : vector<16xf32>
      %add3A_780 = arith.addf %add3A_770, %mul3A_779 : vector<16xf32>
      %add3A_781 = arith.constant 2 : i32
      %add3A_782 = vector.broadcast %add3A_781 : i32 to vector<16xi32>
      %add3A_783 = arith.addi %mul3A_757, %add3A_782 : vector<16xi32>
      %gather3A_784 = tpu.vector_load_idx %arg8[%add3A_783] : memref<36864xf32, #tpu.memory_space<vmem>>[vector<16xi32>], vector<16xf32>,
      %mul3A_785 = vector.broadcast %squeeze3A_589 : f32 to vector<16xf32>
      %mul3A_786 = arith.mulf %gather3A_784, %mul3A_785 : vector<16xf32>
      %add3A_787 = arith.addf %add3A_777, %mul3A_786 : vector<16xf32>
      %mul3A_788 = vector.broadcast %squeeze3A_661 : f32 to vector<16xf32>
      %mul3A_789 = arith.mulf %gather3A_784, %mul3A_788 : vector<16xf32>
      %add3A_790 = arith.addf %add3A_780, %mul3A_789 : vector<16xf32>
      %add3A_791 = arith.constant 3 : i32
      %add3A_792 = vector.broadcast %add3A_791 : i32 to vector<16xi32>
      %add3A_793 = arith.addi %mul3A_757, %add3A_792 : vector<16xi32>
      %gather3A_794 = tpu.vector_load_idx %arg8[%add3A_793] : memref<36864xf32, #tpu.memory_space<vmem>>[vector<16xi32>], vector<16xf32>,
      %mul3A_795 = vector.broadcast %squeeze3A_591 : f32 to vector<16xf32>
      %mul3A_796 = arith.mulf %gather3A_794, %mul3A_795 : vector<16xf32>
      %add3A_797 = arith.addf %add3A_787, %mul3A_796 : vector<16xf32>
      %mul3A_798 = vector.broadcast %squeeze3A_663 : f32 to vector<16xf32>
      %mul3A_799 = arith.mulf %gather3A_794, %mul3A_798 : vector<16xf32>
      %add3A_800 = arith.addf %add3A_790, %mul3A_799 : vector<16xf32>
      %add3A_801 = arith.constant 4 : i32
      %add3A_802 = vector.broadcast %add3A_801 : i32 to vector<16xi32>
      %add3A_803 = arith.addi %mul3A_757, %add3A_802 : vector<16xi32>
      %gather3A_804 = tpu.vector_load_idx %arg8[%add3A_803] : memref<36864xf32, #tpu.memory_space<vmem>>[vector<16xi32>], vector<16xf32>,
      %mul3A_805 = vector.broadcast %squeeze3A_593 : f32 to vector<16xf32>
      %mul3A_806 = arith.mulf %gather3A_804, %mul3A_805 : vector<16xf32>
      %add3A_807 = arith.addf %add3A_797, %mul3A_806 : vector<16xf32>
      %mul3A_808 = vector.broadcast %squeeze3A_665 : f32 to vector<16xf32>
      %mul3A_809 = arith.mulf %gather3A_804, %mul3A_808 : vector<16xf32>
      %add3A_810 = arith.addf %add3A_800, %mul3A_809 : vector<16xf32>
      %add3A_811 = arith.constant 5 : i32
      %add3A_812 = vector.broadcast %add3A_811 : i32 to vector<16xi32>
      %add3A_813 = arith.addi %mul3A_757, %add3A_812 : vector<16xi32>
      %gather3A_814 = tpu.vector_load_idx %arg8[%add3A_813] : memref<36864xf32, #tpu.memory_space<vmem>>[vector<16xi32>], vector<16xf32>,
      %mul3A_815 = vector.broadcast %squeeze3A_595 : f32 to vector<16xf32>
      %mul3A_816 = arith.mulf %gather3A_814, %mul3A_815 : vector<16xf32>
      %add3A_817 = arith.addf %add3A_807, %mul3A_816 : vector<16xf32>
      %mul3A_818 = vector.broadcast %squeeze3A_667 : f32 to vector<16xf32>
      %mul3A_819 = arith.mulf %gather3A_814, %mul3A_818 : vector<16xf32>
      %add3A_820 = arith.addf %add3A_810, %mul3A_819 : vector<16xf32>
      %add3A_821 = arith.constant 6 : i32
      %add3A_822 = vector.broadcast %add3A_821 : i32 to vector<16xi32>
      %add3A_823 = arith.addi %mul3A_757, %add3A_822 : vector<16xi32>
      %gather3A_824 = tpu.vector_load_idx %arg8[%add3A_823] : memref<36864xf32, #tpu.memory_space<vmem>>[vector<16xi32>], vector<16xf32>,
      %mul3A_825 = vector.broadcast %squeeze3A_597 : f32 to vector<16xf32>
      %mul3A_826 = arith.mulf %gather3A_824, %mul3A_825 : vector<16xf32>
      %add3A_827 = arith.addf %add3A_817, %mul3A_826 : vector<16xf32>
      %mul3A_828 = vector.broadcast %squeeze3A_669 : f32 to vector<16xf32>
      %mul3A_829 = arith.mulf %gather3A_824, %mul3A_828 : vector<16xf32>
      %add3A_830 = arith.addf %add3A_820, %mul3A_829 : vector<16xf32>
      %add3A_831 = arith.constant 7 : i32
      %add3A_832 = vector.broadcast %add3A_831 : i32 to vector<16xi32>
      %add3A_833 = arith.addi %mul3A_757, %add3A_832 : vector<16xi32>
      %gather3A_834 = tpu.vector_load_idx %arg8[%add3A_833] : memref<36864xf32, #tpu.memory_space<vmem>>[vector<16xi32>], vector<16xf32>,
      %mul3A_835 = vector.broadcast %squeeze3A_599 : f32 to vector<16xf32>
      %mul3A_836 = arith.mulf %gather3A_834, %mul3A_835 : vector<16xf32>
      %add3A_837 = arith.addf %add3A_827, %mul3A_836 : vector<16xf32>
      %mul3A_838 = vector.broadcast %squeeze3A_671 : f32 to vector<16xf32>
      %mul3A_839 = arith.mulf %gather3A_834, %mul3A_838 : vector<16xf32>
      %add3A_840 = arith.addf %add3A_830, %mul3A_839 : vector<16xf32>
      %add3A_841 = arith.constant 8 : i32
      %add3A_842 = vector.broadcast %add3A_841 : i32 to vector<16xi32>
      %add3A_843 = arith.addi %mul3A_757, %add3A_842 : vector<16xi32>
      %gather3A_844 = tpu.vector_load_idx %arg8[%add3A_843] : memref<36864xf32, #tpu.memory_space<vmem>>[vector<16xi32>], vector<16xf32>,
      %mul3A_845 = vector.broadcast %squeeze3A_601 : f32 to vector<16xf32>
      %mul3A_846 = arith.mulf %gather3A_844, %mul3A_845 : vector<16xf32>
      %add3A_847 = arith.addf %add3A_837, %mul3A_846 : vector<16xf32>
      %mul3A_848 = vector.broadcast %squeeze3A_673 : f32 to vector<16xf32>
      %mul3A_849 = arith.mulf %gather3A_844, %mul3A_848 : vector<16xf32>
      %add3A_850 = arith.addf %add3A_840, %mul3A_849 : vector<16xf32>
      %add3A_851 = arith.constant 9 : i32
      %add3A_852 = vector.broadcast %add3A_851 : i32 to vector<16xi32>
      %add3A_853 = arith.addi %mul3A_757, %add3A_852 : vector<16xi32>
      %gather3A_854 = tpu.vector_load_idx %arg8[%add3A_853] : memref<36864xf32, #tpu.memory_space<vmem>>[vector<16xi32>], vector<16xf32>,
      %mul3A_855 = vector.broadcast %squeeze3A_603 : f32 to vector<16xf32>
      %mul3A_856 = arith.mulf %gather3A_854, %mul3A_855 : vector<16xf32>
      %add3A_857 = arith.addf %add3A_847, %mul3A_856 : vector<16xf32>
      %mul3A_858 = vector.broadcast %squeeze3A_675 : f32 to vector<16xf32>
      %mul3A_859 = arith.mulf %gather3A_854, %mul3A_858 : vector<16xf32>
      %add3A_860 = arith.addf %add3A_850, %mul3A_859 : vector<16xf32>
      %add3A_861 = arith.constant 10 : i32
      %add3A_862 = vector.broadcast %add3A_861 : i32 to vector<16xi32>
      %add3A_863 = arith.addi %mul3A_757, %add3A_862 : vector<16xi32>
      %gather3A_864 = tpu.vector_load_idx %arg8[%add3A_863] : memref<36864xf32, #tpu.memory_space<vmem>>[vector<16xi32>], vector<16xf32>,
      %mul3A_865 = vector.broadcast %squeeze3A_605 : f32 to vector<16xf32>
      %mul3A_866 = arith.mulf %gather3A_864, %mul3A_865 : vector<16xf32>
      %add3A_867 = arith.addf %add3A_857, %mul3A_866 : vector<16xf32>
      %mul3A_868 = vector.broadcast %squeeze3A_677 : f32 to vector<16xf32>
      %mul3A_869 = arith.mulf %gather3A_864, %mul3A_868 : vector<16xf32>
      %add3A_870 = arith.addf %add3A_860, %mul3A_869 : vector<16xf32>
      %add3A_871 = arith.constant 11 : i32
      %add3A_872 = vector.broadcast %add3A_871 : i32 to vector<16xi32>
      %add3A_873 = arith.addi %mul3A_757, %add3A_872 : vector<16xi32>
      %gather3A_874 = tpu.vector_load_idx %arg8[%add3A_873] : memref<36864xf32, #tpu.memory_space<vmem>>[vector<16xi32>], vector<16xf32>,
      %mul3A_875 = vector.broadcast %squeeze3A_607 : f32 to vector<16xf32>
      %mul3A_876 = arith.mulf %gather3A_874, %mul3A_875 : vector<16xf32>
      %add3A_877 = arith.addf %add3A_867, %mul3A_876 : vector<16xf32>
      %mul3A_878 = vector.broadcast %squeeze3A_679 : f32 to vector<16xf32>
      %mul3A_879 = arith.mulf %gather3A_874, %mul3A_878 : vector<16xf32>
      %add3A_880 = arith.addf %add3A_870, %mul3A_879 : vector<16xf32>
      %add3A_881 = arith.constant 12 : i32
      %add3A_882 = vector.broadcast %add3A_881 : i32 to vector<16xi32>
      %add3A_883 = arith.addi %mul3A_757, %add3A_882 : vector<16xi32>
      %gather3A_884 = tpu.vector_load_idx %arg8[%add3A_883] : memref<36864xf32, #tpu.memory_space<vmem>>[vector<16xi32>], vector<16xf32>,
      %mul3A_885 = vector.broadcast %squeeze3A_609 : f32 to vector<16xf32>
      %mul3A_886 = arith.mulf %gather3A_884, %mul3A_885 : vector<16xf32>
      %add3A_887 = arith.addf %add3A_877, %mul3A_886 : vector<16xf32>
      %mul3A_888 = vector.broadcast %squeeze3A_681 : f32 to vector<16xf32>
      %mul3A_889 = arith.mulf %gather3A_884, %mul3A_888 : vector<16xf32>
      %add3A_890 = arith.addf %add3A_880, %mul3A_889 : vector<16xf32>
      %add3A_891 = arith.constant 13 : i32
      %add3A_892 = vector.broadcast %add3A_891 : i32 to vector<16xi32>
      %add3A_893 = arith.addi %mul3A_757, %add3A_892 : vector<16xi32>
      %gather3A_894 = tpu.vector_load_idx %arg8[%add3A_893] : memref<36864xf32, #tpu.memory_space<vmem>>[vector<16xi32>], vector<16xf32>,
      %mul3A_895 = vector.broadcast %squeeze3A_611 : f32 to vector<16xf32>
      %mul3A_896 = arith.mulf %gather3A_894, %mul3A_895 : vector<16xf32>
      %add3A_897 = arith.addf %add3A_887, %mul3A_896 : vector<16xf32>
      %mul3A_898 = vector.broadcast %squeeze3A_683 : f32 to vector<16xf32>
      %mul3A_899 = arith.mulf %gather3A_894, %mul3A_898 : vector<16xf32>
      %add3A_900 = arith.addf %add3A_890, %mul3A_899 : vector<16xf32>
      %add3A_901 = arith.constant 14 : i32
      %add3A_902 = vector.broadcast %add3A_901 : i32 to vector<16xi32>
      %add3A_903 = arith.addi %mul3A_757, %add3A_902 : vector<16xi32>
      %gather3A_904 = tpu.vector_load_idx %arg8[%add3A_903] : memref<36864xf32, #tpu.memory_space<vmem>>[vector<16xi32>], vector<16xf32>,
      %mul3A_905 = vector.broadcast %squeeze3A_613 : f32 to vector<16xf32>
      %mul3A_906 = arith.mulf %gather3A_904, %mul3A_905 : vector<16xf32>
      %add3A_907 = arith.addf %add3A_897, %mul3A_906 : vector<16xf32>
      %mul3A_908 = vector.broadcast %squeeze3A_685 : f32 to vector<16xf32>
      %mul3A_909 = arith.mulf %gather3A_904, %mul3A_908 : vector<16xf32>
      %add3A_910 = arith.addf %add3A_900, %mul3A_909 : vector<16xf32>
      %add3A_911 = arith.constant 15 : i32
      %add3A_912 = vector.broadcast %add3A_911 : i32 to vector<16xi32>
      %add3A_913 = arith.addi %mul3A_757, %add3A_912 : vector<16xi32>
      %gather3A_914 = tpu.vector_load_idx %arg8[%add3A_913] : memref<36864xf32, #tpu.memory_space<vmem>>[vector<16xi32>], vector<16xf32>,
      %mul3A_915 = vector.broadcast %squeeze3A_615 : f32 to vector<16xf32>
      %mul3A_916 = arith.mulf %gather3A_914, %mul3A_915 : vector<16xf32>
      %add3A_917 = arith.addf %add3A_907, %mul3A_916 : vector<16xf32>
      %mul3A_918 = vector.broadcast %squeeze3A_687 : f32 to vector<16xf32>
      %mul3A_919 = arith.mulf %gather3A_914, %mul3A_918 : vector<16xf32>
      %add3A_920 = arith.addf %add3A_910, %mul3A_919 : vector<16xf32>
      %add3A_921 = arith.constant 16 : i32
      %add3A_922 = vector.broadcast %add3A_921 : i32 to vector<16xi32>
      %add3A_923 = arith.addi %mul3A_757, %add3A_922 : vector<16xi32>
      %gather3A_924 = tpu.vector_load_idx %arg8[%add3A_923] : memref<36864xf32, #tpu.memory_space<vmem>>[vector<16xi32>], vector<16xf32>,
      %mul3A_925 = vector.broadcast %squeeze3A_617 : f32 to vector<16xf32>
      %mul3A_926 = arith.mulf %gather3A_924, %mul3A_925 : vector<16xf32>
      %add3A_927 = arith.addf %add3A_917, %mul3A_926 : vector<16xf32>
      %mul3A_928 = vector.broadcast %squeeze3A_689 : f32 to vector<16xf32>
      %mul3A_929 = arith.mulf %gather3A_924, %mul3A_928 : vector<16xf32>
      %add3A_930 = arith.addf %add3A_920, %mul3A_929 : vector<16xf32>
      %add3A_931 = arith.constant 17 : i32
      %add3A_932 = vector.broadcast %add3A_931 : i32 to vector<16xi32>
      %add3A_933 = arith.addi %mul3A_757, %add3A_932 : vector<16xi32>
      %gather3A_934 = tpu.vector_load_idx %arg8[%add3A_933] : memref<36864xf32, #tpu.memory_space<vmem>>[vector<16xi32>], vector<16xf32>,
      %mul3A_935 = vector.broadcast %squeeze3A_619 : f32 to vector<16xf32>
      %mul3A_936 = arith.mulf %gather3A_934, %mul3A_935 : vector<16xf32>
      %add3A_937 = arith.addf %add3A_927, %mul3A_936 : vector<16xf32>
      %mul3A_938 = vector.broadcast %squeeze3A_691 : f32 to vector<16xf32>
      %mul3A_939 = arith.mulf %gather3A_934, %mul3A_938 : vector<16xf32>
      %add3A_940 = arith.addf %add3A_930, %mul3A_939 : vector<16xf32>
      %add3A_941 = arith.constant 18 : i32
      %add3A_942 = vector.broadcast %add3A_941 : i32 to vector<16xi32>
      %add3A_943 = arith.addi %mul3A_757, %add3A_942 : vector<16xi32>
      %gather3A_944 = tpu.vector_load_idx %arg8[%add3A_943] : memref<36864xf32, #tpu.memory_space<vmem>>[vector<16xi32>], vector<16xf32>,
      %mul3A_945 = vector.broadcast %squeeze3A_621 : f32 to vector<16xf32>
      %mul3A_946 = arith.mulf %gather3A_944, %mul3A_945 : vector<16xf32>
      %add3A_947 = arith.addf %add3A_937, %mul3A_946 : vector<16xf32>
      %mul3A_948 = vector.broadcast %squeeze3A_693 : f32 to vector<16xf32>
      %mul3A_949 = arith.mulf %gather3A_944, %mul3A_948 : vector<16xf32>
      %add3A_950 = arith.addf %add3A_940, %mul3A_949 : vector<16xf32>
      %add3A_951 = arith.constant 19 : i32
      %add3A_952 = vector.broadcast %add3A_951 : i32 to vector<16xi32>
      %add3A_953 = arith.addi %mul3A_757, %add3A_952 : vector<16xi32>
      %gather3A_954 = tpu.vector_load_idx %arg8[%add3A_953] : memref<36864xf32, #tpu.memory_space<vmem>>[vector<16xi32>], vector<16xf32>,
      %mul3A_955 = vector.broadcast %squeeze3A_623 : f32 to vector<16xf32>
      %mul3A_956 = arith.mulf %gather3A_954, %mul3A_955 : vector<16xf32>
      %add3A_957 = arith.addf %add3A_947, %mul3A_956 : vector<16xf32>
      %mul3A_958 = vector.broadcast %squeeze3A_695 : f32 to vector<16xf32>
      %mul3A_959 = arith.mulf %gather3A_954, %mul3A_958 : vector<16xf32>
      %add3A_960 = arith.addf %add3A_950, %mul3A_959 : vector<16xf32>
      %add3A_961 = arith.constant 20 : i32
      %add3A_962 = vector.broadcast %add3A_961 : i32 to vector<16xi32>
      %add3A_963 = arith.addi %mul3A_757, %add3A_962 : vector<16xi32>
      %gather3A_964 = tpu.vector_load_idx %arg8[%add3A_963] : memref<36864xf32, #tpu.memory_space<vmem>>[vector<16xi32>], vector<16xf32>,
      %mul3A_965 = vector.broadcast %squeeze3A_625 : f32 to vector<16xf32>
      %mul3A_966 = arith.mulf %gather3A_964, %mul3A_965 : vector<16xf32>
      %add3A_967 = arith.addf %add3A_957, %mul3A_966 : vector<16xf32>
      %mul3A_968 = vector.broadcast %squeeze3A_697 : f32 to vector<16xf32>
      %mul3A_969 = arith.mulf %gather3A_964, %mul3A_968 : vector<16xf32>
      %add3A_970 = arith.addf %add3A_960, %mul3A_969 : vector<16xf32>
      %add3A_971 = arith.constant 21 : i32
      %add3A_972 = vector.broadcast %add3A_971 : i32 to vector<16xi32>
      %add3A_973 = arith.addi %mul3A_757, %add3A_972 : vector<16xi32>
      %gather3A_974 = tpu.vector_load_idx %arg8[%add3A_973] : memref<36864xf32, #tpu.memory_space<vmem>>[vector<16xi32>], vector<16xf32>,
      %mul3A_975 = vector.broadcast %squeeze3A_627 : f32 to vector<16xf32>
      %mul3A_976 = arith.mulf %gather3A_974, %mul3A_975 : vector<16xf32>
      %add3A_977 = arith.addf %add3A_967, %mul3A_976 : vector<16xf32>
      %mul3A_978 = vector.broadcast %squeeze3A_699 : f32 to vector<16xf32>
      %mul3A_979 = arith.mulf %gather3A_974, %mul3A_978 : vector<16xf32>
      %add3A_980 = arith.addf %add3A_970, %mul3A_979 : vector<16xf32>
      %add3A_981 = arith.constant 22 : i32
      %add3A_982 = vector.broadcast %add3A_981 : i32 to vector<16xi32>
      %add3A_983 = arith.addi %mul3A_757, %add3A_982 : vector<16xi32>
      %gather3A_984 = tpu.vector_load_idx %arg8[%add3A_983] : memref<36864xf32, #tpu.memory_space<vmem>>[vector<16xi32>], vector<16xf32>,
      %mul3A_985 = vector.broadcast %squeeze3A_629 : f32 to vector<16xf32>
      %mul3A_986 = arith.mulf %gather3A_984, %mul3A_985 : vector<16xf32>
      %add3A_987 = arith.addf %add3A_977, %mul3A_986 : vector<16xf32>
      %mul3A_988 = vector.broadcast %squeeze3A_701 : f32 to vector<16xf32>
      %mul3A_989 = arith.mulf %gather3A_984, %mul3A_988 : vector<16xf32>
      %add3A_990 = arith.addf %add3A_980, %mul3A_989 : vector<16xf32>
      %add3A_991 = arith.constant 23 : i32
      %add3A_992 = vector.broadcast %add3A_991 : i32 to vector<16xi32>
      %add3A_993 = arith.addi %mul3A_757, %add3A_992 : vector<16xi32>
      %gather3A_994 = tpu.vector_load_idx %arg8[%add3A_993] : memref<36864xf32, #tpu.memory_space<vmem>>[vector<16xi32>], vector<16xf32>,
      %mul3A_995 = vector.broadcast %squeeze3A_631 : f32 to vector<16xf32>
      %mul3A_996 = arith.mulf %gather3A_994, %mul3A_995 : vector<16xf32>
      %add3A_997 = arith.addf %add3A_987, %mul3A_996 : vector<16xf32>
      %mul3A_998 = vector.broadcast %squeeze3A_703 : f32 to vector<16xf32>
      %mul3A_999 = arith.mulf %gather3A_994, %mul3A_998 : vector<16xf32>
      %add3A_1000 = arith.addf %add3A_990, %mul3A_999 : vector<16xf32>
      %add3A_1001 = arith.constant 24 : i32
      %add3A_1002 = vector.broadcast %add3A_1001 : i32 to vector<16xi32>
      %add3A_1003 = arith.addi %mul3A_757, %add3A_1002 : vector<16xi32>
      %gather3A_1004 = tpu.vector_load_idx %arg8[%add3A_1003] : memref<36864xf32, #tpu.memory_space<vmem>>[vector<16xi32>], vector<16xf32>,
      %mul3A_1005 = vector.broadcast %squeeze3A_633 : f32 to vector<16xf32>
      %mul3A_1006 = arith.mulf %gather3A_1004, %mul3A_1005 : vector<16xf32>
      %add3A_1007 = arith.addf %add3A_997, %mul3A_1006 : vector<16xf32>
      %mul3A_1008 = vector.broadcast %squeeze3A_705 : f32 to vector<16xf32>
      %mul3A_1009 = arith.mulf %gather3A_1004, %mul3A_1008 : vector<16xf32>
      %add3A_1010 = arith.addf %add3A_1000, %mul3A_1009 : vector<16xf32>
      %add3A_1011 = arith.constant 25 : i32
      %add3A_1012 = vector.broadcast %add3A_1011 : i32 to vector<16xi32>
      %add3A_1013 = arith.addi %mul3A_757, %add3A_1012 : vector<16xi32>
      %gather3A_1014 = tpu.vector_load_idx %arg8[%add3A_1013] : memref<36864xf32, #tpu.memory_space<vmem>>[vector<16xi32>], vector<16xf32>,
      %mul3A_1015 = vector.broadcast %squeeze3A_635 : f32 to vector<16xf32>
      %mul3A_1016 = arith.mulf %gather3A_1014, %mul3A_1015 : vector<16xf32>
      %add3A_1017 = arith.addf %add3A_1007, %mul3A_1016 : vector<16xf32>
      %mul3A_1018 = vector.broadcast %squeeze3A_707 : f32 to vector<16xf32>
      %mul3A_1019 = arith.mulf %gather3A_1014, %mul3A_1018 : vector<16xf32>
      %add3A_1020 = arith.addf %add3A_1010, %mul3A_1019 : vector<16xf32>
      %add3A_1021 = arith.constant 26 : i32
      %add3A_1022 = vector.broadcast %add3A_1021 : i32 to vector<16xi32>
      %add3A_1023 = arith.addi %mul3A_757, %add3A_1022 : vector<16xi32>
      %gather3A_1024 = tpu.vector_load_idx %arg8[%add3A_1023] : memref<36864xf32, #tpu.memory_space<vmem>>[vector<16xi32>], vector<16xf32>,
      %mul3A_1025 = vector.broadcast %squeeze3A_637 : f32 to vector<16xf32>
      %mul3A_1026 = arith.mulf %gather3A_1024, %mul3A_1025 : vector<16xf32>
      %add3A_1027 = arith.addf %add3A_1017, %mul3A_1026 : vector<16xf32>
      %mul3A_1028 = vector.broadcast %squeeze3A_709 : f32 to vector<16xf32>
      %mul3A_1029 = arith.mulf %gather3A_1024, %mul3A_1028 : vector<16xf32>
      %add3A_1030 = arith.addf %add3A_1020, %mul3A_1029 : vector<16xf32>
      %add3A_1031 = arith.constant 27 : i32
      %add3A_1032 = vector.broadcast %add3A_1031 : i32 to vector<16xi32>
      %add3A_1033 = arith.addi %mul3A_757, %add3A_1032 : vector<16xi32>
      %gather3A_1034 = tpu.vector_load_idx %arg8[%add3A_1033] : memref<36864xf32, #tpu.memory_space<vmem>>[vector<16xi32>], vector<16xf32>,
      %mul3A_1035 = vector.broadcast %squeeze3A_639 : f32 to vector<16xf32>
      %mul3A_1036 = arith.mulf %gather3A_1034, %mul3A_1035 : vector<16xf32>
      %add3A_1037 = arith.addf %add3A_1027, %mul3A_1036 : vector<16xf32>
      %mul3A_1038 = vector.broadcast %squeeze3A_711 : f32 to vector<16xf32>
      %mul3A_1039 = arith.mulf %gather3A_1034, %mul3A_1038 : vector<16xf32>
      %add3A_1040 = arith.addf %add3A_1030, %mul3A_1039 : vector<16xf32>
      %add3A_1041 = arith.constant 28 : i32
      %add3A_1042 = vector.broadcast %add3A_1041 : i32 to vector<16xi32>
      %add3A_1043 = arith.addi %mul3A_757, %add3A_1042 : vector<16xi32>
      %gather3A_1044 = tpu.vector_load_idx %arg8[%add3A_1043] : memref<36864xf32, #tpu.memory_space<vmem>>[vector<16xi32>], vector<16xf32>,
      %mul3A_1045 = vector.broadcast %squeeze3A_641 : f32 to vector<16xf32>
      %mul3A_1046 = arith.mulf %gather3A_1044, %mul3A_1045 : vector<16xf32>
      %add3A_1047 = arith.addf %add3A_1037, %mul3A_1046 : vector<16xf32>
      %mul3A_1048 = vector.broadcast %squeeze3A_713 : f32 to vector<16xf32>
      %mul3A_1049 = arith.mulf %gather3A_1044, %mul3A_1048 : vector<16xf32>
      %add3A_1050 = arith.addf %add3A_1040, %mul3A_1049 : vector<16xf32>
      %add3A_1051 = arith.constant 29 : i32
      %add3A_1052 = vector.broadcast %add3A_1051 : i32 to vector<16xi32>
      %add3A_1053 = arith.addi %mul3A_757, %add3A_1052 : vector<16xi32>
      %gather3A_1054 = tpu.vector_load_idx %arg8[%add3A_1053] : memref<36864xf32, #tpu.memory_space<vmem>>[vector<16xi32>], vector<16xf32>,
      %mul3A_1055 = vector.broadcast %squeeze3A_643 : f32 to vector<16xf32>
      %mul3A_1056 = arith.mulf %gather3A_1054, %mul3A_1055 : vector<16xf32>
      %add3A_1057 = arith.addf %add3A_1047, %mul3A_1056 : vector<16xf32>
      %mul3A_1058 = vector.broadcast %squeeze3A_715 : f32 to vector<16xf32>
      %mul3A_1059 = arith.mulf %gather3A_1054, %mul3A_1058 : vector<16xf32>
      %add3A_1060 = arith.addf %add3A_1050, %mul3A_1059 : vector<16xf32>
      %add3A_1061 = arith.constant 30 : i32
      %add3A_1062 = vector.broadcast %add3A_1061 : i32 to vector<16xi32>
      %add3A_1063 = arith.addi %mul3A_757, %add3A_1062 : vector<16xi32>
      %gather3A_1064 = tpu.vector_load_idx %arg8[%add3A_1063] : memref<36864xf32, #tpu.memory_space<vmem>>[vector<16xi32>], vector<16xf32>,
      %mul3A_1065 = vector.broadcast %squeeze3A_645 : f32 to vector<16xf32>
      %mul3A_1066 = arith.mulf %gather3A_1064, %mul3A_1065 : vector<16xf32>
      %add3A_1067 = arith.addf %add3A_1057, %mul3A_1066 : vector<16xf32>
      %mul3A_1068 = vector.broadcast %squeeze3A_717 : f32 to vector<16xf32>
      %mul3A_1069 = arith.mulf %gather3A_1064, %mul3A_1068 : vector<16xf32>
      %add3A_1070 = arith.addf %add3A_1060, %mul3A_1069 : vector<16xf32>
      %add3A_1071 = arith.constant 31 : i32
      %add3A_1072 = vector.broadcast %add3A_1071 : i32 to vector<16xi32>
      %add3A_1073 = arith.addi %mul3A_757, %add3A_1072 : vector<16xi32>
      %gather3A_1074 = tpu.vector_load_idx %arg8[%add3A_1073] : memref<36864xf32, #tpu.memory_space<vmem>>[vector<16xi32>], vector<16xf32>,
      %mul3A_1075 = vector.broadcast %squeeze3A_647 : f32 to vector<16xf32>
      %mul3A_1076 = arith.mulf %gather3A_1074, %mul3A_1075 : vector<16xf32>
      %add3A_1077 = arith.addf %add3A_1067, %mul3A_1076 : vector<16xf32>
      %mul3A_1078 = vector.broadcast %squeeze3A_719 : f32 to vector<16xf32>
      %mul3A_1079 = arith.mulf %gather3A_1074, %mul3A_1078 : vector<16xf32>
      %add3A_1080 = arith.addf %add3A_1070, %mul3A_1079 : vector<16xf32>
      %add3A_1081 = arith.constant 32 : i32
      %add3A_1082 = vector.broadcast %add3A_1081 : i32 to vector<16xi32>
      %add3A_1083 = arith.addi %mul3A_757, %add3A_1082 : vector<16xi32>
      %gather3A_1084 = tpu.vector_load_idx %arg8[%add3A_1083] : memref<36864xf32, #tpu.memory_space<vmem>>[vector<16xi32>], vector<16xf32>,
      %mul3A_1085 = vector.broadcast %squeeze3A_649 : f32 to vector<16xf32>
      %mul3A_1086 = arith.mulf %gather3A_1084, %mul3A_1085 : vector<16xf32>
      %add3A_1087 = arith.addf %add3A_1077, %mul3A_1086 : vector<16xf32>
      %mul3A_1088 = vector.broadcast %squeeze3A_721 : f32 to vector<16xf32>
      %mul3A_1089 = arith.mulf %gather3A_1084, %mul3A_1088 : vector<16xf32>
      %add3A_1090 = arith.addf %add3A_1080, %mul3A_1089 : vector<16xf32>
      %add3A_1091 = arith.constant 33 : i32
      %add3A_1092 = vector.broadcast %add3A_1091 : i32 to vector<16xi32>
      %add3A_1093 = arith.addi %mul3A_757, %add3A_1092 : vector<16xi32>
      %gather3A_1094 = tpu.vector_load_idx %arg8[%add3A_1093] : memref<36864xf32, #tpu.memory_space<vmem>>[vector<16xi32>], vector<16xf32>,
      %mul3A_1095 = vector.broadcast %squeeze3A_651 : f32 to vector<16xf32>
      %mul3A_1096 = arith.mulf %gather3A_1094, %mul3A_1095 : vector<16xf32>
      %add3A_1097 = arith.addf %add3A_1087, %mul3A_1096 : vector<16xf32>
      %mul3A_1098 = vector.broadcast %squeeze3A_723 : f32 to vector<16xf32>
      %mul3A_1099 = arith.mulf %gather3A_1094, %mul3A_1098 : vector<16xf32>
      %add3A_1100 = arith.addf %add3A_1090, %mul3A_1099 : vector<16xf32>
      %add3A_1101 = arith.constant 34 : i32
      %add3A_1102 = vector.broadcast %add3A_1101 : i32 to vector<16xi32>
      %add3A_1103 = arith.addi %mul3A_757, %add3A_1102 : vector<16xi32>
      %gather3A_1104 = tpu.vector_load_idx %arg8[%add3A_1103] : memref<36864xf32, #tpu.memory_space<vmem>>[vector<16xi32>], vector<16xf32>,
      %mul3A_1105 = vector.broadcast %squeeze3A_653 : f32 to vector<16xf32>
      %mul3A_1106 = arith.mulf %gather3A_1104, %mul3A_1105 : vector<16xf32>
      %add3A_1107 = arith.addf %add3A_1097, %mul3A_1106 : vector<16xf32>
      %mul3A_1108 = vector.broadcast %squeeze3A_725 : f32 to vector<16xf32>
      %mul3A_1109 = arith.mulf %gather3A_1104, %mul3A_1108 : vector<16xf32>
      %add3A_1110 = arith.addf %add3A_1100, %mul3A_1109 : vector<16xf32>
      %add3A_1111 = arith.constant 35 : i32
      %add3A_1112 = vector.broadcast %add3A_1111 : i32 to vector<16xi32>
      %add3A_1113 = arith.addi %mul3A_757, %add3A_1112 : vector<16xi32>
      %gather3A_1114 = tpu.vector_load_idx %arg8[%add3A_1113] : memref<36864xf32, #tpu.memory_space<vmem>>[vector<16xi32>], vector<16xf32>,
      %mul3A_1115 = vector.broadcast %squeeze3A_655 : f32 to vector<16xf32>
      %mul3A_1116 = arith.mulf %gather3A_1114, %mul3A_1115 : vector<16xf32>
      %add3A_1117 = arith.addf %add3A_1107, %mul3A_1116 : vector<16xf32>
      %mul3A_1118 = vector.broadcast %squeeze3A_727 : f32 to vector<16xf32>
      %mul3A_1119 = arith.mulf %gather3A_1114, %mul3A_1118 : vector<16xf32>
      %add3A_1120 = arith.addf %add3A_1110, %mul3A_1119 : vector<16xf32>
      %bitcast3A_1121 = vector.bitcast %add3A_1117 : vector<16xf32> to vector<16xi32>
      %add3A_1122 = arith.constant 32767 : i32
      %add3A_1123 = vector.broadcast %add3A_1122 : i32 to vector<16xi32>
      %add3A_1124 = arith.addi %bitcast3A_1121, %add3A_1123 : vector<16xi32>
      %shift_right_logical3A_1125 = arith.constant 16 : i32
      %shift_right_logical3A_1126 = vector.broadcast %shift_right_logical3A_1125 : i32 to vector<16xi32>
      %shift_right_logical3A_1127 = arith.shrui %bitcast3A_1121, %shift_right_logical3A_1126 : vector<16xi32>
      %and3A_1128 = arith.constant 1 : i32
      %and3A_1129 = vector.broadcast %and3A_1128 : i32 to vector<16xi32>
      %and3A_1130 = arith.andi %shift_right_logical3A_1127, %and3A_1129 : vector<16xi32>
      %add3A_1131 = arith.addi %add3A_1124, %and3A_1130 : vector<16xi32>
      %and3A_1132 = arith.constant -65536 : i32
      %and3A_1133 = vector.broadcast %and3A_1132 : i32 to vector<16xi32>
      %and3A_1134 = arith.andi %add3A_1131, %and3A_1133 : vector<16xi32>
      %bitcast3A_1135 = vector.bitcast %and3A_1134 : vector<16xi32> to vector<16xf32>
      %mul3A_1136 = vector.broadcast %squeeze3A_463 : f32 to vector<16xf32>
      %mul3A_1137 = arith.mulf %bitcast3A_1135, %mul3A_1136 : vector<16xf32>
      %bitcast3A_1138 = vector.bitcast %add3A_1120 : vector<16xf32> to vector<16xi32>
      %add3A_1139 = arith.constant 32767 : i32
      %add3A_1140 = vector.broadcast %add3A_1139 : i32 to vector<16xi32>
      %add3A_1141 = arith.addi %bitcast3A_1138, %add3A_1140 : vector<16xi32>
      %shift_right_logical3A_1142 = arith.constant 16 : i32
      %shift_right_logical3A_1143 = vector.broadcast %shift_right_logical3A_1142 : i32 to vector<16xi32>
      %shift_right_logical3A_1144 = arith.shrui %bitcast3A_1138, %shift_right_logical3A_1143 : vector<16xi32>
      %and3A_1145 = arith.constant 1 : i32
      %and3A_1146 = vector.broadcast %and3A_1145 : i32 to vector<16xi32>
      %and3A_1147 = arith.andi %shift_right_logical3A_1144, %and3A_1146 : vector<16xi32>
      %add3A_1148 = arith.addi %add3A_1141, %and3A_1147 : vector<16xi32>
      %and3A_1149 = arith.constant -65536 : i32
      %and3A_1150 = vector.broadcast %and3A_1149 : i32 to vector<16xi32>
      %and3A_1151 = arith.andi %add3A_1148, %and3A_1150 : vector<16xi32>
      %bitcast3A_1152 = vector.bitcast %and3A_1151 : vector<16xi32> to vector<16xf32>
      %mul3A_1153 = vector.broadcast %squeeze3A_481 : f32 to vector<16xf32>
      %mul3A_1154 = arith.mulf %bitcast3A_1152, %mul3A_1153 : vector<16xf32>
      %add3A_1155 = arith.addf %mul3A_1137, %mul3A_1154 : vector<16xf32>
      %gt3A = arith.cmpf ogt, %add3A_1155, %scan3A_749 : vector<16xf32>
      %select_n3A = arith.select %gt3A, %add3A_1155, %scan3A_749 : vector<16xi1>, vector<16xf32>
      %mul3A_1156 = arith.constant 1024 : i32
      %mul3A_1157 = arith.muli %add3A, %mul3A_1156 : i32
      %add3A_1158 = vector.broadcast %mul3A_1157 : i32 to vector<16xi32>
      %add3A_1159 = arith.addi %add3A_1158, %add3A_754 : vector<16xi32>
      %select_n3A_1160 = arith.select %gt3A, %add3A_1159, %scan3A_750 : vector<16xi1>, vector<16xi32>
      scf.yield %select_n3A, %select_n3A_1160 : vector<16xf32>, vector<16xi32>
    }
    %scan3A_744 = arith.constant 64 : i32
    %swap3A = arith.constant 0 : index
    %swap3A_745 = tpu.vector_load %arg12[%swap3A] {strides = array<i32>} : memref<16xf32, #tpu.memory_space<vmem>>, vector<16xf32>,
    tpu.vector_store %arg12[%swap3A], %scan3A_743#0 {strides = array<i32>} : memref<16xf32, #tpu.memory_space<vmem>>, vector<16xf32>,
    %swap3A_746 = arith.constant 0 : index
    %swap3A_747 = tpu.vector_load %arg13[%swap3A_746] {strides = array<i32>} : memref<16xi32, #tpu.memory_space<vmem>>, vector<16xi32>,
    tpu.vector_store %arg13[%swap3A_746], %scan3A_743#1 {strides = array<i32>} : memref<16xi32, #tpu.memory_space<vmem>>, vector<16xi32>,
    "tpu.region"() ({
      %run_scoped3A = tpu.sem_alloc : memref<!tpu.dma_semaphore, #tpu.memory_space<semaphore_mem>>
      %dma_start3A_748 = arith.constant 0 : i32
      %dma_start3A_749 = tpu.memref_slice %arg6[%add3A, %dma_start3A_748] : memref<32x16xf32, #tpu.memory_space<hbm>> -> memref<1x16xf32, #tpu.memory_space<hbm>>
      %dma_start3A_750 = tpu.memref_squeeze %dma_start3A_749 : memref<1x16xf32, #tpu.memory_space<hbm>> -> memref<16xf32, #tpu.memory_space<hbm>>
      %dma_start3A_751 = arith.constant 0 : i32
      %dma_start3A_752 = tpu.memref_slice %arg6[%add3A, %dma_start3A_751] : memref<32x16xf32, #tpu.memory_space<hbm>> -> memref<1x16xf32, #tpu.memory_space<hbm>>
      %dma_start3A_753 = tpu.memref_squeeze %dma_start3A_752 : memref<1x16xf32, #tpu.memory_space<hbm>> -> memref<16xf32, #tpu.memory_space<hbm>>
      tpu.enqueue_dma source(%arg12 : memref<16xf32, #tpu.memory_space<vmem>>) target(%dma_start3A_753 : memref<16xf32, #tpu.memory_space<hbm>>) target_semaphore(%run_scoped3A : memref<!tpu.dma_semaphore, #tpu.memory_space<semaphore_mem>>)
      %dma_wait3A_754 = arith.constant 0 : i32
      %dma_wait3A_755 = tpu.memref_slice %arg6[%add3A, %dma_wait3A_754] : memref<32x16xf32, #tpu.memory_space<hbm>> -> memref<1x16xf32, #tpu.memory_space<hbm>>
      %dma_wait3A_756 = tpu.memref_squeeze %dma_wait3A_755 : memref<1x16xf32, #tpu.memory_space<hbm>> -> memref<16xf32, #tpu.memory_space<hbm>>
      %dma_wait3A_757 = arith.constant 0 : i32
      %dma_wait3A_758 = tpu.memref_slice %arg6[%add3A, %dma_wait3A_757] : memref<32x16xf32, #tpu.memory_space<hbm>> -> memref<1x16xf32, #tpu.memory_space<hbm>>
      %dma_wait3A_759 = tpu.memref_squeeze %dma_wait3A_758 : memref<1x16xf32, #tpu.memory_space<hbm>> -> memref<16xf32, #tpu.memory_space<hbm>>
      tpu.wait_dma2 semaphore(%run_scoped3A : memref<!tpu.dma_semaphore, #tpu.memory_space<semaphore_mem>>) src(%arg12 : memref<16xf32, #tpu.memory_space<vmem>>) dst(%dma_wait3A_759 : memref<16xf32, #tpu.memory_space<hbm>>)
      tpu.yield
    }) : () -> ()
    "tpu.region"() ({
      %run_scoped3A = tpu.sem_alloc : memref<!tpu.dma_semaphore, #tpu.memory_space<semaphore_mem>>
      %dma_start3A_748 = arith.constant 0 : i32
      %dma_start3A_749 = tpu.memref_slice %arg7[%add3A, %dma_start3A_748] : memref<32x16xi32, #tpu.memory_space<hbm>> -> memref<1x16xi32, #tpu.memory_space<hbm>>
      %dma_start3A_750 = tpu.memref_squeeze %dma_start3A_749 : memref<1x16xi32, #tpu.memory_space<hbm>> -> memref<16xi32, #tpu.memory_space<hbm>>
      %dma_start3A_751 = arith.constant 0 : i32
      %dma_start3A_752 = tpu.memref_slice %arg7[%add3A, %dma_start3A_751] : memref<32x16xi32, #tpu.memory_space<hbm>> -> memref<1x16xi32, #tpu.memory_space<hbm>>
      %dma_start3A_753 = tpu.memref_squeeze %dma_start3A_752 : memref<1x16xi32, #tpu.memory_space<hbm>> -> memref<16xi32, #tpu.memory_space<hbm>>
      tpu.enqueue_dma source(%arg13 : memref<16xi32, #tpu.memory_space<vmem>>) target(%dma_start3A_753 : memref<16xi32, #tpu.memory_space<hbm>>) target_semaphore(%run_scoped3A : memref<!tpu.dma_semaphore, #tpu.memory_space<semaphore_mem>>)
      %dma_wait3A_754 = arith.constant 0 : i32
      %dma_wait3A_755 = tpu.memref_slice %arg7[%add3A, %dma_wait3A_754] : memref<32x16xi32, #tpu.memory_space<hbm>> -> memref<1x16xi32, #tpu.memory_space<hbm>>
      %dma_wait3A_756 = tpu.memref_squeeze %dma_wait3A_755 : memref<1x16xi32, #tpu.memory_space<hbm>> -> memref<16xi32, #tpu.memory_space<hbm>>
      %dma_wait3A_757 = arith.constant 0 : i32
      %dma_wait3A_758 = tpu.memref_slice %arg7[%add3A, %dma_wait3A_757] : memref<32x16xi32, #tpu.memory_space<hbm>> -> memref<1x16xi32, #tpu.memory_space<hbm>>
      %dma_wait3A_759 = tpu.memref_squeeze %dma_wait3A_758 : memref<1x16xi32, #tpu.memory_space<hbm>> -> memref<16xi32, #tpu.memory_space<hbm>>
      tpu.wait_dma2 semaphore(%run_scoped3A : memref<!tpu.dma_semaphore, #tpu.memory_space<semaphore_mem>>) src(%arg13 : memref<16xi32, #tpu.memory_space<vmem>>) dst(%dma_wait3A_759 : memref<16xi32, #tpu.memory_space<hbm>>)
      tpu.yield
    }) : () -> ()
    return
  }
}

module attributes {stable_mosaic.version = 14 : i64} {
  func.func @_merge_body(%arg0: memref<32x16xf32, #tpu.memory_space<vmem>>, %arg1: memref<32x16xi32, #tpu.memory_space<vmem>>, %arg2: memref<1x36xf32, #tpu.memory_space<vmem>>, %arg3: memref<32768x36xf32, #tpu.memory_space<any>>, %arg4: memref<1x1xf32, #tpu.memory_space<vmem>>, %arg5: memref<1x1xf32, #tpu.memory_space<vmem>>, %arg6: memref<1x1xi32, #tpu.memory_space<vmem>>, %arg7: memref<1x36xf32, #tpu.memory_space<vmem>>, %arg8: memref<!tpu.dma_semaphore, #tpu.memory_space<semaphore_mem>>) attributes {dimension_semantics = [], scalar_prefetch = 0 : i64, scratch_operands = 2 : i64, tpu.core_type = #tpu.core_type<tc>} {
    %get3A = arith.constant 0 : index
    %get3A_0 = arith.constant 0 : index
    %get3A_1 = vector.load %arg0[%get3A, %get3A_0] : memref<32x16xf32, #tpu.memory_space<vmem>>, vector<32x16xf32>
    %get3A_2 = arith.constant 0 : index
    %get3A_3 = arith.constant 0 : index
    %get3A_4 = vector.load %arg1[%get3A_2, %get3A_3] : memref<32x16xi32, #tpu.memory_space<vmem>>, vector<32x16xi32>
    %reduce_max3A = vector.shape_cast %get3A_1 : vector<32x16xf32> to vector<1x32x16xf32>
    %reduce_max3A_5 = arith.constant dense<0xFF800000> : vector<1xf32>
    %reduce_max3A_6 = vector.multi_reduction <maximumf>, %reduce_max3A, %reduce_max3A_5 [1, 2] : vector<1x32x16xf32> to vector<1xf32>
    %reduce_max3A_7 = vector.shape_cast %reduce_max3A_6 : vector<1xf32> to vector<1x1x1xf32>
    %reduce_max3A_8 = vector.extract %reduce_max3A_7[0, 0, 0] : f32 from vector<1x1x1xf32>
    %eq3A = vector.broadcast %reduce_max3A_8 : f32 to vector<32x16xf32>
    %eq3A_9 = arith.cmpf oeq, %get3A_1, %eq3A : vector<32x16xf32>
    %jit3A = arith.constant 32768 : i32
    %broadcast_in_dim3A = vector.broadcast %jit3A : i32 to vector<32x16xi32>
    %select_n3A = arith.select %eq3A_9, %get3A_4, %broadcast_in_dim3A : vector<32x16xi1>, vector<32x16xi32>
    %reduce_min3A = vector.shape_cast %select_n3A : vector<32x16xi32> to vector<1x32x16xi32>
    %reduce_min3A_10 = arith.constant dense<2147483647> : vector<1xi32>
    %reduce_min3A_11 = vector.multi_reduction <minsi>, %reduce_min3A, %reduce_min3A_10 [1, 2] : vector<1x32x16xi32> to vector<1xi32>
    %reduce_min3A_12 = vector.shape_cast %reduce_min3A_11 : vector<1xi32> to vector<1x1x1xi32>
    %reduce_min3A_13 = vector.extract %reduce_min3A_12[0, 0, 0] : i32 from vector<1x1x1xi32>
    %dma_start3A = arith.constant 0 : i32
    %dma_start3A_14 = tpu.memref_slice %arg3[%reduce_min3A_13, %dma_start3A] : memref<32768x36xf32, #tpu.memory_space<any>> -> memref<1x36xf32, #tpu.memory_space<any>>
    tpu.enqueue_dma source(%dma_start3A_14 : memref<1x36xf32, #tpu.memory_space<any>>) target(%arg7 : memref<1x36xf32, #tpu.memory_space<vmem>>) target_semaphore(%arg8 : memref<!tpu.dma_semaphore, #tpu.memory_space<semaphore_mem>>)
    %dma_wait3A = arith.constant 0 : i32
    %dma_wait3A_15 = tpu.memref_slice %arg3[%reduce_min3A_13, %dma_wait3A] : memref<32768x36xf32, #tpu.memory_space<any>> -> memref<1x36xf32, #tpu.memory_space<any>>
    tpu.wait_dma2 semaphore(%arg8 : memref<!tpu.dma_semaphore, #tpu.memory_space<semaphore_mem>>) src(%dma_wait3A_15 : memref<1x36xf32, #tpu.memory_space<any>>) dst(%arg7 : memref<1x36xf32, #tpu.memory_space<vmem>>)
    %get3A_16 = arith.constant 0 : index
    %get3A_17 = arith.constant 0 : index
    %get3A_18 = vector.load %arg7[%get3A_16, %get3A_17] : memref<1x36xf32, #tpu.memory_space<vmem>>, vector<1x36xf32>
    %convert_element_type3A = arith.truncf %get3A_18 : vector<1x36xf32> to vector<1x36xbf16>
    %convert_element_type3A_19 = arith.extf %convert_element_type3A : vector<1x36xbf16> to vector<1x36xf32>
    %get3A_20 = arith.constant 0 : index
    %get3A_21 = arith.constant 0 : index
    %get3A_22 = vector.load %arg2[%get3A_20, %get3A_21] : memref<1x36xf32, #tpu.memory_space<vmem>>, vector<1x36xf32>
    %convert_element_type3A_23 = arith.truncf %get3A_22 : vector<1x36xf32> to vector<1x36xbf16>
    %convert_element_type3A_24 = arith.extf %convert_element_type3A_23 : vector<1x36xbf16> to vector<1x36xf32>
    %mul3A = arith.mulf %convert_element_type3A_19, %convert_element_type3A_24 : vector<1x36xf32>
    %reduce_sum3A = arith.constant dense<0.000000e+00> : vector<1xf32>
    %reduce_sum3A_25 = vector.multi_reduction <add>, %mul3A, %reduce_sum3A [1] : vector<1x36xf32> to vector<1xf32>
    %broadcast_in_dim3A_26 = vector.shape_cast %reduce_sum3A_25 : vector<1xf32> to vector<1x1xf32>
    %swap3A = arith.constant 0 : index
    %swap3A_27 = arith.constant 0 : index
    %swap3A_28 = vector.load %arg4[%swap3A, %swap3A_27] : memref<1x1xf32, #tpu.memory_space<vmem>>, vector<1x1xf32>
    tpu.vector_store %arg4[%swap3A, %swap3A_27], %broadcast_in_dim3A_26 {strides = array<i32>} : memref<1x1xf32, #tpu.memory_space<vmem>>, vector<1x1xf32>,
    %broadcast_in_dim3A_29 = vector.broadcast %reduce_max3A_8 : f32 to vector<1x1xf32>
    %swap3A_30 = arith.constant 0 : index
    %swap3A_31 = arith.constant 0 : index
    %swap3A_32 = vector.load %arg5[%swap3A_30, %swap3A_31] : memref<1x1xf32, #tpu.memory_space<vmem>>, vector<1x1xf32>
    tpu.vector_store %arg5[%swap3A_30, %swap3A_31], %broadcast_in_dim3A_29 {strides = array<i32>} : memref<1x1xf32, #tpu.memory_space<vmem>>, vector<1x1xf32>,
    %broadcast_in_dim3A_33 = vector.broadcast %reduce_min3A_13 : i32 to vector<1x1xi32>
    %swap3A_34 = arith.constant 0 : index
    %swap3A_35 = arith.constant 0 : index
    %swap3A_36 = vector.load %arg6[%swap3A_34, %swap3A_35] : memref<1x1xi32, #tpu.memory_space<vmem>>, vector<1x1xi32>
    tpu.vector_store %arg6[%swap3A_34, %swap3A_35], %broadcast_in_dim3A_33 {strides = array<i32>} : memref<1x1xi32, #tpu.memory_space<vmem>>, vector<1x1xi32>,
    return
  }
}

</mosaic_0001>

<sc_bundles>
// kernel: kernel.4.cloned.1.call-start
scs
__scs_entry_jumppad:
0x0: {  	(pc) =	sbr.rel $0x88, $3  }
0x1: {  	(tag) =	ssettag $0x0;
	lr =	simm.s32 $0x1  }
0x2: {  	[smem:$0x3F9C] =	sst lr;
	_ =	strace $0xD0000000  }
0x3: {  	_ = 	snop  }
0x4: {  	_ = 	snop  }
0x5: {  	_ = 	snop  }
0x6: {  	_ = 	snop  }
0x7: {  	_ = 	snop  }
__scs_overlays_trampoline_lowered:
0x8: {  	[smem:$0x3FAB] =	sst s0  }
0x9: {  	[smem:$0x3FAC] =	sst s1  }
0xa: {  	[smem:$0x3FAD] =	sst s2  }
0xb: {  	[smem:$0x3FAE] =	sst s3  }
0xc: {  	[smem:$0x3FAF] =	sst s4  }
0xd: {  	[smem:$0x3FB0] =	sst s5  }
0xe: {  	[smem:$0x3FB1] =	sst s6  }
0xf: {  	[smem:$0x3FB2] =	sst s7  }
0x10: {  	[smem:$0x3FB3] =	sst s8  }
0x11: {  	[smem:$0x3FB4] =	sst s9;
	s0 =	simm.s32 @!p0 $0x0  }
0x12: {  	s1 =	sld [smem:$0x3F9A];
	s0 =	simm.s32 @p0 $0x1  }
0x13: {  	[smem:$0x3FB5] =	sst s0;
	s0 =	simm.s32 @!p1 $0x0  }
0x14: {  	s2 =	sld [smem:$0x3F99];
	s0 =	simm.s32 @p1 $0x1  }
0x15: {  	[smem:$0x3FB6] =	sst s0;
	s0 =	simm.s32 @!p2 $0x0  }
0x16: {  	s3 =	sld [smem:$0x3FDB];
	s0 =	simm.s32 @p2 $0x1  }
0x17: {  	s4 =	simm.s32 $0x1BF5;
	[smem:$0x3FB8] =	sst s0  }
0x18: {  	s0 =	sld [smem:$0x3F9B];
	_ =	swait.ge [sflag:s4], $0x0  }
0x19: {  	s7 =	sld [smem:$0x3F9C]  }
0x1a: {  	s8 =	sadd.s32 $0xFFFFE003, lr  }
0x1b: {  	s9 =	sadd.s32 $0xFFFFFEF7, lr;
	s5 =	simm.s32 $0xFFFFFFFF;
	p2 =	slt.u32 s8, $0xFFFFF086  }
0x1c: {  	p1 =	slt.u32 s9, $0xF7A;
	s5 =	simm.s32 @!p2 $0x0  }
0x1d: {  	s5 =	simm.s32 @p1 $0x1;
	p0 =	seq.s32 s7, s2  }
0x1e: {  	s7 =	smul.u32 @!p0 $0xF7A, s2;
	p2 =	seq.s32 @!p0 s5, $0x0  }
0x1f: {  	s9 =	smul.u32 $0xF7A, s1;
	s8 =	simm.s32 @!p0 $0x1BF5;
	p2 =	por !p2, p0  }
0x20: {  	[sflag:s8] =	ssyncset.s32 @!p0 $0xFFFFF086;
	s6 =	sadd.s32 @!p0 s3, s7;
	s7 =	simm.s32 @!p0 $0x108  }
0x21: {  	s3 =	sadd.s32 s3, s9;
	s6 =	sadd.s32 @!p0 $0x88, s6;
	s7 =	simm.s32 @p2 $0x1082  }
0x22: {  	[simem:s7], [sflag:s8] =	dma.local @!p0 [hbm:s6], $0xF7A  }
0x23: {  	s9 =	sor.u32 $0xD0000000, s2;
	s6 =	simm.s32 $0x108;
	_ =	swait.ge @!p0 [sflag:s8], $0x0  }
0x24: {  	s3 =	sadd.s32 $0x88, s3;
	s6 =	simm.s32 @!p1 $0x1082;
	[sflag:s4] =	ssyncset.s32 $0xFFFFF086  }
0x25: {  	[simem:s6], [sflag:s4] =	dma.local [hbm:s3], $0xF7A  }
0x26: {  	[smem:$0x3F9C] =	sst s1;
	(tag) =	ssettag s2;
	_ =	strace s9  }
0x27: {  	s1 =	sld [smem:$0x3FAC]  }
0x28: {  	s2 =	sld [smem:$0x3FAD]  }
0x29: {  	s4 =	sld [smem:$0x3FAF]  }
0x2a: {  	p0 =	seq.s32 s5, $0x0;
	s5 =	sld [smem:$0x3FB0]  }
0x2b: {  	s6 =	sld [smem:$0x3FB1]  }
0x2c: {  	s7 =	sld [smem:$0x3FB2]  }
0x2d: {  	s3 =	simm.s32 $0x108;
	s8 =	sld [smem:$0x3FB3]  }
0x2e: {  	s3 =	simm.s32 @!p0 $0x1082;
	s9 =	sld [smem:$0x3FB4]  }
0x2f: {  	lr =	sadd.s32 s0, s3;
	s0 =	sld [smem:$0x3FAB]  }
0x30: {  	s3 =	sld [smem:$0x3FAE]  }
0x31: {  	[smem:$0x3FB7] =	sst s10  }
0x32: {  	s10 =	sld [smem:$0x3FB5];
	_ =	sdelay $0x3  }
0x33: {  	p0 =	seq.s32 s10, $0x1;
	s10 =	sld [smem:$0x3FB7];
	_ =	sdelay $0x3  }
0x34: {  	[smem:$0x3FB7] =	sst s10  }
0x35: {  	s10 =	sld [smem:$0x3FB6];
	_ =	sdelay $0x3  }
0x36: {  	p1 =	seq.s32 s10, $0x1;
	s10 =	sld [smem:$0x3FB7];
	_ =	sdelay $0x3  }
0x37: {  	[smem:$0x3FB7] =	sst s10  }
0x38: {  	s10 =	sld [smem:$0x3FB8]  }
0x39: {  	_ = 	snop;
	(pc) =	sbr.ind lr, $3  }
0x3a: {  	_ = 	snop  }
0x3b: {  	_ = 	snop  }
0x3c: {  	p2 =	seq.s32 s10, $0x1;
	s10 =	sld [smem:$0x3FB7]  }
0x3d: {  	_ =	shalt  }
0x3e: {  	_ =	shalt  }
0x3f: {  	_ =	shalt  }
0x40: {  	_ =	shalt  }
0x41: {  	_ =	shalt  }
0x42: {  	_ =	shalt  }
0x43: {  	_ =	shalt  }
0x44: {  	_ =	shalt  }
0x45: {  	_ =	shalt  }
0x46: {  	_ =	shalt  }
0x47: {  	_ =	shalt  }
0x48: {  	_ =	shalt  }
0x49: {  	_ =	shalt  }
0x4a: {  	_ =	shalt  }
0x4b: {  	_ =	shalt  }
0x4c: {  	_ =	shalt  }
0x4d: {  	_ =	shalt  }
0x4e: {  	_ =	shalt  }
0x4f: {  	_ =	shalt  }
0x50: {  	_ =	shalt  }
0x51: {  	_ =	shalt  }
0x52: {  	_ =	shalt  }
0x53: {  	_ =	shalt  }
0x54: {  	_ =	shalt  }
0x55: {  	_ =	shalt  }
0x56: {  	_ =	shalt  }
0x57: {  	_ =	shalt  }
0x58: {  	_ =	shalt  }
0x59: {  	_ =	shalt  }
0x5a: {  	_ =	shalt  }
0x5b: {  	_ =	shalt  }
0x5c: {  	_ =	shalt  }
0x5d: {  	_ =	shalt  }
0x5e: {  	_ =	shalt  }
0x5f: {  	_ =	shalt  }
0x60: {  	_ =	shalt  }
0x61: {  	_ =	shalt  }
0x62: {  	_ =	shalt  }
0x63: {  	_ =	shalt  }
0x64: {  	_ =	shalt  }
0x65: {  	_ =	shalt  }
0x66: {  	_ =	shalt  }
0x67: {  	_ =	shalt  }
0x68: {  	_ =	shalt  }
0x69: {  	_ =	shalt  }
0x6a: {  	_ =	shalt  }
0x6b: {  	_ =	shalt  }
0x6c: {  	_ =	shalt  }
0x6d: {  	_ =	shalt  }
0x6e: {  	_ =	shalt  }
0x6f: {  	_ =	shalt  }
0x70: {  	_ =	shalt  }
0x71: {  	_ =	shalt  }
0x72: {  	_ =	shalt  }
0x73: {  	_ =	shalt  }
0x74: {  	_ =	shalt  }
0x75: {  	_ =	shalt  }
0x76: {  	_ =	shalt  }
0x77: {  	_ =	shalt  }
0x78: {  	_ =	shalt  }
0x79: {  	_ =	shalt  }
0x7a: {  	_ =	shalt  }
0x7b: {  	_ =	shalt  }
0x7c: {  	_ =	shalt  }
0x7d: {  	_ =	shalt  }
0x7e: {  	_ =	shalt  }
0x7f: {  	_ =	shalt  }
0x80: {  	_ =	shalt  }
0x81: {  	_ =	shalt  }
0x82: {  	_ =	shalt  }
0x83: {  	_ =	shalt  }
0x84: {  	_ =	shalt  }
0x85: {  	_ =	shalt  }
0x86: {  	_ =	shalt  }
0x87: {  	_ =	shalt  }
.Lfunc_end0:
.L_simem_size_0:
called_computation_lowered:
.L_overlay_start_0:
0x88: {  	s2 =	sld [smem:$0x3FD9]  }
0x89: {  	s3 =	sld [smem:$0x3FFE];
	_ =	sdelay $0x1  }
0x8a: {  	s1 =	srdreg.scid  }
0x8b: {  	s0 =	sand.u32 $0x1, s1  }
0x8c: {  	s14 =	sshll.u32 s0, $0xA;
	s2 =	sadd.s32 s3, s2  }
0x8d: {  	s2 =	sadd.s32 s2, s14  }
0x8e: {  	[smem:$0x3FC3] =	sst s2  }
0x8f: {  	_ = 	snop  }
0x90: {  	s2 =	sld [smem:$0x3FD0];
	_ =	sdelay $0x2  }
0x91: {  	s15 =	simm.s32 $0xA;
	s4 =	simm.s32 $0x10  }
0x92: {  	[smem:s4], [sflag:s15] =	dma.local [hbm:s2], $0x1  }
0x93: {  	_ =	swait.eq [sflag:s15], $0x1  }
0x94: {  	s16 =	sld [smem:$0x10];
	[sflag:s15] =	ssyncset.done $0x0  }
0x95: {  	s17 =	sld [smem:$0x11];
	[sflag:s15] =	ssyncadd.s32 $0xFFFFFFFF  }
0x96: {  	s18 =	sld [smem:$0x12];
	(tm) =	ssettm $0x1  }
0x97: {  	s5 =	sld [smem:$0x3FFB];
	_ =	sdelay $0x3  }
0x98: {  	_ =	strace s5  }
0x99: {  	s5 =	sld [smem:$0x3FFC];
	_ =	sdelay $0x3  }
0x9a: {  	_ =	strace s5  }
0x9b: {  	s5 =	sld [smem:$0x3FFD];
	_ =	sdelay $0x3  }
0x9c: {  	_ =	strace s5  }
0x9d: {  	_ =	strace $0x8FFFFFFF  }
0x9e: {  	s19 =	sld [smem:$0x3FDB];
	_ =	sdelay $0x1  }
0x9f: {  	s6 =	simm.s32 $_scs_section_size  }
0xa0: {  	s7 =	simm.s32 $_size__tile_overlayer_lowered;
	s8 =	simm.s32 $_tile_overlayer_lowered  }
0xa1: {  	s22 =	simm.s32 $0x1BFF;
	s21 =	sshll.u32 s8, $0x1;
	s5 =	sadd.s32 s6, s19  }
0xa2: {  	s9 =	simm.s32 $0x0;
	s20 =	sshll.u32 s7, $0x1;
	s7 =	sadd.s32 s21, s5  }
0xa3: {  	[timem:s9], [sflag:s22] =	dma.local [hbm:s7], s20  }
0xa4: {  	_ =	swait.ge [sflag:s22], s20  }
0xa5: {  	s6 =	ssub.s32 $0x0, s20;
	[sflag:s22] =	ssyncset.done $0x0  }
0xa6: {  	[sflag:s22] =	ssyncadd.s32 s6;
	_ =	sdelay $0x1  }
0xa7: {  	s23 =	simm.s32 $0x1B8B  }
0xa8: {  	_ =	swait.ge [sflag:s23], $0x1  }
0xa9: {  	[sflag:s23] =	ssyncset.done $0x0  }
0xaa: {  	s25 =	simm.s32 $0x1B8E;
	s24 =	sld [smem:$0x3FFE];
	[sflag:s23] =	ssyncadd.s32 $0xFFFFFFFF  }
0xab: {  	s26 =	simm.s32 $execute0_lowered;
	[smem:$0x3FD2] =	sst s25  }
0xac: {  	s7 =	sshll.u32 s26, $0x1;
	_ =	strace $0x80000046;
	[dreg:$0x1] =	wrdreg $0xFFFFFFFF  }
0xad: {  	s28 =	simm.s32 $_size_execute0_lowered;
	s5 =	sadd.s32 s5, s7;
	[dreg:$0x0] =	wrdreg $0x0  }
0xae: {  	s7 =	sshll.u32 s28, $0x1;
	[dreg:$0x2] =	wrdreg s5  }
0xaf: {  	[dreg:$0x3] =	wrdreg s7  }
0xb0: {  	[dreg:$0x4] =	wrdreg $0xC0  }
0xb1: {  	_ =	task [dreg:s9], $0x5FFFF  }
0xb2: {  	[dreg:$0x1] =	wrdreg $0xFFFFFFFF  }
0xb3: {  	[dreg:$0x0] =	wrdreg $0x60  }
0xb4: {  	[dreg:$0x2] =	wrdreg s18  }
0xb5: {  	[dreg:$0x3] =	wrdreg s17  }
0xb6: {  	[dreg:$0x4] =	wrdreg s16  }
0xb7: {  	[dreg:$0x5] =	wrdreg s24  }
0xb8: {  	[dreg:$0x6] =	wrdreg $0x9  }
0xb9: {  	_ =	task.clear_ibuf [dreg:s9], $0x7FFFF;
	_ =	strace $0x90000046  }
0xba: {  	s29 =	simm.s32 $0x9;
	_ =	strace $0x80000048  }
0xbb: {  	_ =	swait.ge [sflag:s29], $0x1  }
0xbc: {  	[sflag:s29] =	ssyncadd.s32 $0xFFFFFFFF  }
0xbd: {  	_ =	strace $0x90000048  }
0xbe: {  	_ =	sfence  }
0xbf: {  	s30 =	sld [smem:$0x0];
	_ =	sdelay $0x2  }
0xc0: {  	s31 =	sshll.u32 s1, $0xD;
	s1 =	sshrl.u32 s1, $0x2  }
0xc1: {  	s3 =	sand.u32 $0x4000, s31;
	s1 =	sadd.s32 s1, s30  }
0xc2: {  	s0 =	sor.u32 s3, s0;
	s1 =	sshll.u32 s1, $0x11  }
0xc3: {  	s0 =	sor.u32 s1, s0  }
0xc4: {  	s0 =	sadd.s32 $0x8F2B, s0  }
0xc5: {  	[sflag:s0] =	ssyncadd.remote.s32 $0x1  }
0xc6: {  	_ =	sfence.sel $0xFFFF  }
0xc7: {  	[dreg:$0x0] =	wrdreg $0xFFFFFFFF;
	(pc) =	sbr.abs _section_cstart, $3  }
0xc8: {  	[dreg:$0x1] =	wrdreg $0xFFFFFFFF  }
0xc9: {  	_ =	task.clear_ibuf [dreg:s9], $0x2FFFF;
	_ =	strace $0x9FFFFFFF  }
0xca: {  	(tm) =	ssettm $0x7FFFFFFF  }
0xcb: {  	_ =	shalt  }
tec
execute0_lowered:
.L_overlay_start_1:
0x0: {  	(tag) =	ssettag $0x1  }
0x1: {  	s1 =	rddreg [dreg:$0x0]  }
0x2: {  	s2 =	rddreg [dreg:$0x1]  }
0x3: {  	s4 =	rddreg [dreg:$0x2];
	s3 =	srdreg.scid  }
0x4: {  	s0 =	stileid.u32;
	s6 =	rddreg [dreg:$0x3]  }
0x5: {  	s5 =	simm.s32 $0x0;
	s12 =	simm.s32 $0x9080;
	s13 =	simm.s32 $0x9100  }
0x6: {  	s14 =	simm.s32 $0x1;
	s16 =	simm.s32 $0x9200;
	s17 =	simm.s32 $0x0  }
0x7: {  	s7 =	sand.u32 $0x1, s3;
	s8 =	sshll.u32 s0, $0x1;
	[smem:$0x7FF] =	sst s5  }
0x8: {  	s3 =	rddreg [dreg:$0x4];
	s8 =	sor.u32 s7, s8;
	_ =	strace $0x80000047  }
0x9: {  	s7 =	ssub.s32 $0x2, s7;
	s9 =	smul.u32 $0x1200, s8;
	s10 =	sshll.u32 s8, $0x4  }
0xa: {  	v0 =	vlaneseq.u32;
	s11 =	sshrl.u32 s7, $0x1;
	s15 =	sshll.u32 s8, $0xA;
	s10 =	sadd.s32 s10, s6  }
0xb: {  	s11 =	ssub.s32 s7, s11;
	v33 =	vor.u32 s15, v0;
	s15 =	simm.s32 $0x9180;
	s9 =	sadd.s32 s9, s6  }
0xc: {  	s7 =	sadd.s32 $0xA5200, s10;
	s8 =	sadd.s32 $0xA5400, s10;
	s10 =	simm.s32 $0x9000  }
0xd: {  	s6 =	sadd.s32 $0x81200, s9;
	s9 =	smax.u32 s11, $0x1;
	s11 =	simm.s32 $0x2  }
.LBB2_1:
0xe: {  	[tilespmem:s5], [sflag:$0x1] =	stream.linear.gather [hbm4b:s6+s5], $0x9000, $0x38;
	[tilespmem:$0x9280] =	vst v63  }
0xf: {  	_ = 	snop  }
0x10: {  	[tilespmem:s10], [sflag:$0x2] =	stream.linear.gather [hbm4b:s1+s5], $0x80, $0x38;
	[tilespmem:$0x9280] =	vst v63  }
0x11: {  	_ =	swait.ge [sflag:s11], $0x80  }
0x12: {  	[sflag:s11] =	ssyncset.done $0x0  }
0x13: {  	[sflag:s11] =	ssyncadd.s32 $0xFFFFFF80  }
0x14: {  	[tilespmem:s12], [sflag:$0x2] =	stream.linear.gather [hbm4b:s2+s5], $0x80, $0x38;
	[tilespmem:$0x9280] =	vst v63  }
0x15: {  	_ =	swait.ge [sflag:s11], $0x80  }
0x16: {  	[sflag:s11] =	ssyncset.done $0x0  }
0x17: {  	[sflag:s11] =	ssyncadd.s32 $0xFFFFFF80  }
0x18: {  	[tilespmem:s13], [sflag:$0x2] =	stream.linear.gather [hbm4b:s4+s5], $0x80, $0x38;
	[tilespmem:$0x9280] =	vst v63  }
0x19: {  	_ =	swait.ge [sflag:s11], $0x80  }
0x1a: {  	[sflag:s11] =	ssyncset.done $0x0  }
0x1b: {  	[sflag:s11] =	ssyncadd.s32 $0xFFFFFF80  }
0x1c: {  	v11 =	vld [tilespmem:$0x9000]  }
0x1d: {  	v12 =	vld [tilespmem:$0x9080]  }
0x1e: {  	v10 =	vld [tilespmem:$0x90C0]  }
0x1f: {  	v8 =	vld [tilespmem:$0x9010]  }
0x20: {  	v9 =	vld [tilespmem:$0x9090]  }
0x21: {  	v7 =	vld [tilespmem:$0x90D0]  }
0x22: {  	v5 =	vld [tilespmem:$0x9020]  }
0x23: {  	v6 =	vld [tilespmem:$0x90A0]  }
0x24: {  	v4 =	vld [tilespmem:$0x90E0]  }
0x25: {  	v1 =	vld [tilespmem:$0x9100]  }
0x26: {  	v17 =	vld [tilespmem:$0x9110]  }
0x27: {  	v3 =	vld [tilespmem:$0x9120]  }
0x28: {  	v0 =	vld [tilespmem:$0x9140]  }
0x29: {  	v16 =	vld [tilespmem:$0x9150]  }
0x2a: {  	v2 =	vld [tilespmem:$0x9160];
	_ =	swait.ge [sflag:s14], $0x9000  }
0x2b: {  	[sflag:s14] =	ssyncset.done $0x0  }
0x2c: {  	s18 =	simm.s32 $0x0;
	[sflag:s14] =	ssyncadd.s32 $0xFFFF7000  }
0x2d: {  	v13 =	vld [tilespmem:s18+$0x0]  }
0x2e: {  	v19 =	vld [tilespmem:s18+$0x70];
	_ =	sdelay $0x1  }
0x2f: {  	v20 =	vld [tilespmem:s18+$0x60];
	_ =	sdelay $0x1  }
0x30: {  	v15 =	vld [tilespmem:s18+$0x50]  }
0x31: {  	v18 =	vld [tilespmem:s18+$0x20];
	v14 =	vshrl.u32 v13, $0x10;
	v23 =	vshrl.u32 v19, $0x10  }
0x32: {  	v21 =	vand.u32 $0x1, v14;
	v14 =	vld [tilespmem:s18+$0x30];
	v23 =	vand.u32 $0x1, v23  }
0x33: {  	v22 =	vshrl.u32 v20, $0x10;
	v21 =	vadd.s32 v21, v13;
	v13 =	vld [tilespmem:s18+$0x40];
	v19 =	vadd.s32 v23, v19  }
0x34: {  	v22 =	vand.u32 $0x1, v22;
	v23 =	vadd.s32 $0x7FFF, v19;
	v19 =	vld [tilespmem:s18+$0x10]  }
0x35: {  	v24 =	vshrl.u32 v15, $0x10;
	v20 =	vadd.s32 v22, v20  }
0x36: {  	v25 =	vshrl.u32 v18, $0x10;
	v21 =	vadd.s32 $0x7FFF, v21;
	v20 =	vadd.s32 $0x7FFF, v20  }
0x37: {  	v22 =	vand.u32 $0x1, v24;
	v21 =	vand.u32 $0xFFFF0000, v21;
	v20 =	vand.u32 $0xFFFF0000, v20  }
0x38: {  	s19 =	simm.s32 $0x200;
	v23 =	vand.u32 $0xFFFF0000, v23;
	[tilespmem:s18+$0x0] =	vst v21;
	v24 =	vshrl.u32 v14, $0x10;
	v21 =	vshrl.u32 v13, $0x10  }
.LBB2_2:
0x39: {  	s20 =	sshra.s32 s19, $0x2;
	p0 =	seq.s32 s19, $0x23E00;
	s19 =	sadd.s32 $0x200, s19;
	v26 =	vshrl.u32 v19, $0x10;
	v25 =	vand.u32 $0x1, v25;
	v15 =	vadd.s32 v22, v15;
	[tilespmem:s18+$0x70] =	vst v23  }
0x3a: {  	v24 =	vand.u32 $0x1, v24;
	v22 =	vld [tilespmem:s20+$0x0];
	v23 =	vand.u32 $0x1, v26;
	v18 =	vadd.s32 v25, v18;
	[tilespmem:s18+$0x60] =	vst v20  }
0x3b: {  	v14 =	vadd.s32 v24, v14;
	v15 =	vadd.s32 $0x7FFF, v15;
	v20 =	vld [tilespmem:s20+$0x70];
	v18 =	vadd.s32 $0x7FFF, v18  }
0x3c: {  	v21 =	vand.u32 $0x1, v21;
	v15 =	vand.u32 $0xFFFF0000, v15;
	v24 =	vld [tilespmem:s20+$0x60];
	v18 =	vand.u32 $0xFFFF0000, v18  }
0x3d: {  	v13 =	vadd.s32 v21, v13;
	v19 =	vadd.s32 v23, v19;
	v14 =	vadd.s32 $0x7FFF, v14;
	[tilespmem:s18+$0x50] =	vst v15  }
0x3e: {  	v13 =	vadd.s32 $0x7FFF, v13;
	v19 =	vadd.s32 $0x7FFF, v19;
	v14 =	vand.u32 $0xFFFF0000, v14;
	v15 =	vld [tilespmem:s20+$0x50];
	[tilespmem:s18+$0x20] =	vst v18  }
0x3f: {  	v13 =	vand.u32 $0xFFFF0000, v13;
	v19 =	vand.u32 $0xFFFF0000, v19;
	v21 =	vshrl.u32 v22, $0x10;
	v18 =	vld [tilespmem:s20+$0x20];
	[tilespmem:s18+$0x30] =	vst v14  }
0x40: {  	v21 =	vand.u32 $0x1, v21;
	v14 =	vld [tilespmem:s20+$0x30];
	[tilespmem:s18+$0x40] =	vst v13  }
0x41: {  	v23 =	vshrl.u32 v20, $0x10;
	v21 =	vadd.s32 v21, v22;
	v13 =	vld [tilespmem:s20+$0x40];
	v22 =	vshrl.u32 v24, $0x10;
	[tilespmem:s18+$0x10] =	vst v19;
	s18 =	smov.u32 s20  }
.Ltmp0:
0x42: {  	v23 =	vand.u32 $0x1, v23;
	v21 =	vadd.s32 $0x7FFF, v21;
	v19 =	vld [tilespmem:s18+$0x10];
	v22 =	vand.u32 $0x1, v22;
	(pc) =	sbr.rel @!p0 .LBB2_2-.Ltmp0, $4  }
0x43: {  	v20 =	vadd.s32 v23, v20;
	v25 =	vshrl.u32 v15, $0x10;
	v24 =	vadd.s32 v22, v24  }
0x44: {  	v22 =	vand.u32 $0x1, v25;
	v23 =	vadd.s32 $0x7FFF, v24;
	v24 =	vadd.s32 $0x7FFF, v20  }
0x45: {  	v21 =	vand.u32 $0xFFFF0000, v21;
	v20 =	vand.u32 $0xFFFF0000, v23;
	v23 =	vand.u32 $0xFFFF0000, v24  }
0x46: {  	v25 =	vshrl.u32 v18, $0x10;
	v24 =	vshrl.u32 v14, $0x10;
	[tilespmem:s18+$0x0] =	vst v21;
	v21 =	vshrl.u32 v13, $0x10  }
0x47: {  	v26 =	vshrl.u32 v19, $0x10;
	[tilespmem:s18+$0x70] =	vst v23  }
0x48: {  	v15 =	vadd.s32 v22, v15;
	v23 =	vand.u32 $0x1, v24;
	[tilespmem:s18+$0x60] =	vst v20;
	v20 =	vand.u32 $0x1, v21  }
0x49: {  	v22 =	vand.u32 $0x1, v26;
	v15 =	vadd.s32 $0x7FFF, v15;
	v14 =	vadd.s32 v23, v14  }
0x4a: {  	v13 =	vadd.s32 v20, v13;
	v15 =	vand.u32 $0xFFFF0000, v15;
	v14 =	vadd.s32 $0x7FFF, v14  }
0x4b: {  	v13 =	vadd.s32 $0x7FFF, v13;
	[tilespmem:s18+$0x50] =	vst v15;
	v15 =	vadd.s32 v22, v19;
	v14 =	vand.u32 $0xFFFF0000, v14  }
0x4c: {  	v13 =	vand.u32 $0xFFFF0000, v13;
	v15 =	vadd.s32 $0x7FFF, v15;
	[tilespmem:s18+$0x30] =	vst v14  }
0x4d: {  	[tilespmem:s18+$0x40] =	vst v13;
	v14 =	vand.u32 $0xFFFF0000, v15  }
0x4e: {  	v13 =	vshrl.u32 v11, $0x10;
	[tilespmem:s18+$0x10] =	vst v14;
	v14 =	vshrl.u32 v12, $0x10  }
0x4f: {  	v13 =	vand.u32 $0x1, v13;
	v15 =	vshrl.u32 v10, $0x10;
	v14 =	vand.u32 $0x1, v14  }
0x50: {  	v11 =	vadd.s32 v13, v11;
	v13 =	vand.u32 $0x1, v15;
	v12 =	vadd.s32 v14, v12  }
0x51: {  	v11 =	vadd.s32 $0x7FFF, v11;
	v10 =	vadd.s32 v13, v10;
	v12 =	vadd.s32 $0x7FFF, v12  }
0x52: {  	v11 =	vand.u32 $0xFFFF0000, v11;
	v10 =	vadd.s32 $0x7FFF, v10;
	v12 =	vand.u32 $0xFFFF0000, v12  }
0x53: {  	v10 =	vand.u32 $0xFFFF0000, v10;
	v12 =	vmul.f32 v12, v11  }
0x54: {  	v10 =	vmul.f32 v10, v11  }
0x55: {  	(v2sf) =	vpush v12, $0x0  }
0x56: {  	(v2sf) =	vpush v10, $0x0  }
0x57: {  	(v2sf) =	vpush v12, $0x1  }
0x58: {  	(v2sf) =	vpush v10, $0x1  }
0x59: {  	(v2sf) =	vpush v12, $0x2  }
0x5a: {  	(v2sf) =	vpush v10, $0x2  }
0x5b: {  	(v2sf) =	vpush v12, $0x3  }
0x5c: {  	(v2sf) =	vpush v10, $0x3  }
0x5d: {  	(v2sf) =	vpush v12, $0x4  }
0x5e: {  	(v2sf) =	vpush v10, $0x4  }
0x5f: {  	(v2sf) =	vpush v12, $0x5  }
0x60: {  	(v2sf) =	vpush v10, $0x5  }
0x61: {  	v25 =	vand.u32 $0x1, v25;
	(v2sf) =	vpush v12, $0x6  }
0x62: {  	v18 =	vadd.s32 v25, v18;
	(v2sf) =	vpush v10, $0x6  }
0x63: {  	v18 =	vadd.s32 $0x7FFF, v18;
	(v2sf) =	vpush v12, $0x7  }
0x64: {  	v18 =	vand.u32 $0xFFFF0000, v18;
	(v2sf) =	vpush v10, $0x7;
	s29 =	spop (v2sf)  }
0x65: {  	[tilespmem:s18+$0x20] =	vst v18;
	(v2sf) =	vpush v12, $0x8;
	s19 =	spop (v2sf);
	s18 =	sadd.f32 $0.0e+00, s29  }
0x66: {  	(v2sf) =	vpush v10, $0x8;
	s20 =	spop (v2sf)  }
0x67: {  	(v2sf) =	vpush v12, $0x9;
	s21 =	spop (v2sf);
	s18 =	sadd.f32 s18, s20  }
0x68: {  	(v2sf) =	vpush v10, $0x9;
	s22 =	spop (v2sf)  }
0x69: {  	(v2sf) =	vpush v12, $0xA;
	s23 =	spop (v2sf);
	s18 =	sadd.f32 s18, s22  }
0x6a: {  	(v2sf) =	vpush v10, $0xA;
	s24 =	spop (v2sf)  }
0x6b: {  	v13 =	vshrl.u32 v9, $0x10;
	(v2sf) =	vpush v12, $0xB;
	s30 =	spop (v2sf);
	s18 =	sadd.f32 s18, s24  }
0x6c: {  	v13 =	vand.u32 $0x1, v13;
	s19 =	sadd.f32 $0.0e+00, s19;
	(v2sf) =	vpush v10, $0xB;
	s25 =	spop (v2sf)  }
0x6d: {  	v14 =	vshrl.u32 v7, $0x10;
	v9 =	vadd.s32 v13, v9;
	(v2sf) =	vpush v12, $0xC;
	s31 =	spop (v2sf);
	s18 =	sadd.f32 s18, s25  }
0x6e: {  	v9 =	vadd.s32 $0x7FFF, v9;
	v11 =	vshrl.u32 v8, $0x10;
	s19 =	sadd.f32 s19, s21;
	(v2sf) =	vpush v10, $0xC;
	s24 =	spop (v2sf)  }
0x6f: {  	v9 =	vand.u32 $0xFFFF0000, v9;
	v11 =	vand.u32 $0x1, v11;
	(v2sf) =	vpush v12, $0xD;
	s18 =	sadd.f32 s18, s24;
	s25 =	spop (v2sf)  }
0x70: {  	v8 =	vadd.s32 v11, v8;
	v11 =	vand.u32 $0x1, v14;
	s19 =	sadd.f32 s19, s23;
	(v2sf) =	vpush v10, $0xD;
	s26 =	spop (v2sf)  }
0x71: {  	v8 =	vadd.s32 $0x7FFF, v8;
	v7 =	vadd.s32 v11, v7;
	(v2sf) =	vpush v12, $0xE;
	s18 =	sadd.f32 s18, s26;
	s28 =	spop (v2sf)  }
0x72: {  	v8 =	vand.u32 $0xFFFF0000, v8;
	v7 =	vadd.s32 $0x7FFF, v7;
	s19 =	sadd.f32 s19, s30;
	(v2sf) =	vpush v10, $0xE;
	s29 =	spop (v2sf)  }
0x73: {  	v9 =	vmul.f32 v9, v8;
	v7 =	vand.u32 $0xFFFF0000, v7;
	(v2sf) =	vpush v12, $0xF;
	s18 =	sadd.f32 s18, s29;
	s30 =	spop (v2sf)  }
0x74: {  	v7 =	vmul.f32 v7, v8;
	s19 =	sadd.f32 s19, s31;
	(v2sf) =	vpush v10, $0xF;
	s31 =	spop (v2sf)  }
0x75: {  	(v2sf) =	vpush v9, $0x0;
	s18 =	sadd.f32 s18, s31;
	s22 =	spop (v2sf)  }
0x76: {  	(v2sf) =	vpush v7, $0x0;
	s23 =	spop (v2sf)  }
0x77: {  	(v2sf) =	vpush v9, $0x1;
	s18 =	sadd.f32 s18, s23;
	s24 =	spop (v2sf)  }
0x78: {  	s19 =	sadd.f32 s19, s25;
	(v2sf) =	vpush v7, $0x1;
	s25 =	spop (v2sf)  }
0x79: {  	(v2sf) =	vpush v9, $0x2;
	s18 =	sadd.f32 s18, s25;
	s26 =	spop (v2sf)  }
0x7a: {  	s19 =	sadd.f32 s19, s28;
	(v2sf) =	vpush v7, $0x2;
	s28 =	spop (v2sf)  }
0x7b: {  	(v2sf) =	vpush v9, $0x3;
	s18 =	sadd.f32 s18, s28;
	s29 =	spop (v2sf)  }
0x7c: {  	s19 =	sadd.f32 s19, s30;
	(v2sf) =	vpush v7, $0x3;
	s30 =	spop (v2sf)  }
0x7d: {  	(v2sf) =	vpush v9, $0x4;
	s18 =	sadd.f32 s18, s30;
	s31 =	spop (v2sf)  }
0x7e: {  	s19 =	sadd.f32 s19, s22;
	(v2sf) =	vpush v7, $0x4;
	s22 =	spop (v2sf)  }
0x7f: {  	(v2sf) =	vpush v9, $0x5;
	s18 =	sadd.f32 s18, s22;
	s23 =	spop (v2sf)  }
0x80: {  	s19 =	sadd.f32 s19, s24;
	(v2sf) =	vpush v7, $0x5;
	s24 =	spop (v2sf)  }
0x81: {  	(v2sf) =	vpush v9, $0x6;
	s18 =	sadd.f32 s18, s24;
	s25 =	spop (v2sf)  }
0x82: {  	s19 =	sadd.f32 s19, s26;
	(v2sf) =	vpush v7, $0x6;
	s26 =	spop (v2sf)  }
0x83: {  	(v2sf) =	vpush v9, $0x7;
	s18 =	sadd.f32 s18, s26;
	s28 =	spop (v2sf)  }
0x84: {  	s19 =	sadd.f32 s19, s29;
	(v2sf) =	vpush v7, $0x7;
	s29 =	spop (v2sf)  }
0x85: {  	(v2sf) =	vpush v9, $0x8;
	s18 =	sadd.f32 s18, s29;
	s30 =	spop (v2sf)  }
0x86: {  	s19 =	sadd.f32 s19, s31;
	(v2sf) =	vpush v7, $0x8;
	s31 =	spop (v2sf)  }
0x87: {  	(v2sf) =	vpush v9, $0x9;
	s18 =	sadd.f32 s18, s31;
	s22 =	spop (v2sf)  }
0x88: {  	s19 =	sadd.f32 s19, s23;
	(v2sf) =	vpush v7, $0x9;
	s23 =	spop (v2sf)  }
0x89: {  	(v2sf) =	vpush v9, $0xA;
	s18 =	sadd.f32 s18, s23;
	s24 =	spop (v2sf)  }
0x8a: {  	s19 =	sadd.f32 s19, s25;
	(v2sf) =	vpush v7, $0xA;
	s25 =	spop (v2sf)  }
0x8b: {  	v8 =	vshrl.u32 v5, $0x10;
	(v2sf) =	vpush v9, $0xB;
	s18 =	sadd.f32 s18, s25;
	s26 =	spop (v2sf)  }
0x8c: {  	v8 =	vand.u32 $0x1, v8;
	s19 =	sadd.f32 s19, s28;
	(v2sf) =	vpush v7, $0xB;
	s28 =	spop (v2sf)  }
0x8d: {  	v11 =	vshrl.u32 v4, $0x10;
	v5 =	vadd.s32 v8, v5;
	(v2sf) =	vpush v9, $0xC;
	s18 =	sadd.f32 s18, s28;
	s29 =	spop (v2sf)  }
0x8e: {  	v8 =	vand.u32 $0x1, v11;
	v10 =	vshrl.u32 v6, $0x10;
	s19 =	sadd.f32 s19, s30;
	(v2sf) =	vpush v7, $0xC;
	s30 =	spop (v2sf)  }
0x8f: {  	v5 =	vadd.s32 $0x7FFF, v5;
	v10 =	vand.u32 $0x1, v10;
	(v2sf) =	vpush v9, $0xD;
	s18 =	sadd.f32 s18, s30;
	s31 =	spop (v2sf)  }
0x90: {  	v4 =	vadd.s32 v8, v4;
	v6 =	vadd.s32 v10, v6;
	s19 =	sadd.f32 s19, s22;
	(v2sf) =	vpush v7, $0xD;
	s22 =	spop (v2sf)  }
0x91: {  	v5 =	vand.u32 $0xFFFF0000, v5;
	v6 =	vadd.s32 $0x7FFF, v6;
	(v2sf) =	vpush v9, $0xE;
	s18 =	sadd.f32 s18, s22;
	s23 =	spop (v2sf)  }
0x92: {  	v4 =	vadd.s32 $0x7FFF, v4;
	v6 =	vand.u32 $0xFFFF0000, v6;
	s19 =	sadd.f32 s19, s24;
	(v2sf) =	vpush v7, $0xE;
	s24 =	spop (v2sf)  }
0x93: {  	v4 =	vand.u32 $0xFFFF0000, v4;
	v6 =	vmul.f32 v6, v5;
	s18 =	sadd.f32 s18, s24;
	s25 =	spop (v2sf);
	(v2sf) =	vpush v9, $0xF  }
0x94: {  	v4 =	vmul.f32 v4, v5;
	s19 =	sadd.f32 s19, s26;
	s26 =	spop (v2sf);
	(v2sf) =	vpush v7, $0xF  }
0x95: {  	s18 =	sadd.f32 s18, s26;
	s28 =	spop (v2sf);
	(v2sf) =	vpush v6, $0x0  }
0x96: {  	s19 =	sadd.f32 s19, s29;
	s29 =	spop (v2sf);
	(v2sf) =	vpush v4, $0x0  }
0x97: {  	s18 =	sadd.f32 s18, s29;
	s30 =	spop (v2sf);
	(v2sf) =	vpush v6, $0x1  }
0x98: {  	s19 =	sadd.f32 s19, s31;
	s31 =	spop (v2sf);
	(v2sf) =	vpush v4, $0x1  }
0x99: {  	s18 =	sadd.f32 s18, s31;
	s22 =	spop (v2sf);
	(v2sf) =	vpush v6, $0x2  }
0x9a: {  	s19 =	sadd.f32 s19, s23;
	s23 =	spop (v2sf);
	(v2sf) =	vpush v4, $0x2  }
0x9b: {  	s18 =	sadd.f32 s18, s23;
	s24 =	spop (v2sf);
	(v2sf) =	vpush v6, $0x3  }
0x9c: {  	s19 =	sadd.f32 s19, s25;
	s25 =	spop (v2sf);
	(v2sf) =	vpush v4, $0x3  }
0x9d: {  	s18 =	sadd.f32 s18, s25;
	s26 =	spop (v2sf);
	(v2sf) =	vpush v6, $0x4  }
0x9e: {  	s19 =	sadd.f32 s19, s28;
	s28 =	spop (v2sf);
	(v2sf) =	vpush v4, $0x4  }
0x9f: {  	s18 =	sadd.f32 s18, s28;
	s29 =	spop (v2sf);
	(v2sf) =	vpush v6, $0x5  }
0xa0: {  	s19 =	sadd.f32 s19, s30;
	s30 =	spop (v2sf);
	(v2sf) =	vpush v4, $0x5  }
0xa1: {  	s18 =	sadd.f32 s18, s30;
	s31 =	spop (v2sf);
	(v2sf) =	vpush v6, $0x6  }
0xa2: {  	s19 =	sadd.f32 s19, s22;
	s22 =	spop (v2sf);
	(v2sf) =	vpush v4, $0x6  }
0xa3: {  	s18 =	sadd.f32 s18, s22;
	s23 =	spop (v2sf);
	(v2sf) =	vpush v6, $0x7  }
0xa4: {  	s19 =	sadd.f32 s19, s24;
	s24 =	spop (v2sf);
	(v2sf) =	vpush v4, $0x7  }
0xa5: {  	s18 =	sadd.f32 s18, s24;
	s25 =	spop (v2sf);
	(v2sf) =	vpush v6, $0x8  }
0xa6: {  	s19 =	sadd.f32 s19, s26;
	s26 =	spop (v2sf);
	(v2sf) =	vpush v4, $0x8  }
0xa7: {  	s18 =	sadd.f32 s18, s26;
	s28 =	spop (v2sf);
	(v2sf) =	vpush v6, $0x9  }
0xa8: {  	s19 =	sadd.f32 s19, s29;
	s29 =	spop (v2sf);
	(v2sf) =	vpush v4, $0x9  }
0xa9: {  	s18 =	sadd.f32 s18, s29;
	s30 =	spop (v2sf);
	(v2sf) =	vpush v6, $0xA  }
0xaa: {  	s19 =	sadd.f32 s19, s31;
	s31 =	spop (v2sf);
	(v2sf) =	vpush v4, $0xA  }
0xab: {  	s18 =	sadd.f32 s18, s31;
	s22 =	spop (v2sf);
	(v2sf) =	vpush v6, $0xB  }
0xac: {  	s19 =	sadd.f32 s19, s23;
	s23 =	spop (v2sf);
	(v2sf) =	vpush v4, $0xB  }
0xad: {  	s18 =	sadd.f32 s18, s23;
	s24 =	spop (v2sf);
	(v2sf) =	vpush v6, $0xC  }
0xae: {  	s19 =	sadd.f32 s19, s25;
	s25 =	spop (v2sf);
	(v2sf) =	vpush v4, $0xC  }
0xaf: {  	s18 =	sadd.f32 s18, s25;
	s26 =	spop (v2sf);
	(v2sf) =	vpush v6, $0xD  }
0xb0: {  	s19 =	sadd.f32 s19, s28;
	s28 =	spop (v2sf);
	(v2sf) =	vpush v4, $0xD  }
0xb1: {  	s18 =	sadd.f32 s18, s28;
	s29 =	spop (v2sf);
	(v2sf) =	vpush v6, $0xE  }
0xb2: {  	s19 =	sadd.f32 s19, s30;
	s30 =	spop (v2sf);
	(v2sf) =	vpush v4, $0xE  }
0xb3: {  	s18 =	sadd.f32 s18, s30;
	s31 =	spop (v2sf);
	(v2sf) =	vpush v6, $0xF  }
0xb4: {  	s19 =	sadd.f32 s19, s22;
	s22 =	spop (v2sf)  }
0xb5: {  	s18 =	sadd.f32 s18, s22;
	s23 =	spop (v2sf)  }
0xb6: {  	s19 =	sadd.f32 s19, s24;
	s24 =	spop (v2sf)  }
0xb7: {  	s18 =	sadd.f32 s18, s24;
	s25 =	spop (v2sf)  }
0xb8: {  	s19 =	sadd.f32 s19, s26;
	s26 =	spop (v2sf)  }
0xb9: {  	s18 =	sadd.f32 s18, s26;
	s28 =	spop (v2sf)  }
0xba: {  	s19 =	sadd.f32 s19, s29;
	s29 =	spop (v2sf)  }
0xbb: {  	v24 =	vshrl.u32 v17, $0x10;
	(v2sf) =	vpush v4, $0xF;
	v4 =	vshrl.u32 v1, $0x10;
	s18 =	sadd.f32 s18, s29;
	s30 =	spop (v2sf)  }
0xbc: {  	v24 =	vand.u32 $0x1, v24;
	s19 =	sadd.f32 s19, s31;
	v4 =	vand.u32 $0x1, v4;
	s31 =	spop (v2sf)  }
0xbd: {  	v17 =	vadd.s32 v24, v17;
	v1 =	vadd.s32 v4, v1;
	s18 =	sadd.f32 s18, s31;
	s22 =	spop (v2sf)  }
0xbe: {  	v24 =	vshrl.u32 v16, $0x10;
	v6 =	vshrl.u32 v0, $0x10;
	s19 =	sadd.f32 s19, s23;
	v1 =	vadd.s32 $0x7FFF, v1;
	s23 =	spop (v2sf)  }
0xbf: {  	v17 =	vadd.s32 $0x7FFF, v17;
	v4 =	vand.u32 $0x1, v6;
	v21 =	vand.u32 $0xFFFF0000, v1;
	s18 =	sadd.f32 s18, s23;
	s24 =	spop (v2sf)  }
0xc0: {  	v0 =	vadd.s32 v4, v0;
	s19 =	sadd.f32 s19, s25;
	v14 =	vbroadcast v21, $0x0;
	v12 =	vbroadcast v21, $0x1;
	s25 =	spop (v2sf)  }
0xc1: {  	v0 =	vadd.s32 $0x7FFF, v0;
	v10 =	vbroadcast v21, $0x2;
	v9 =	vbroadcast v21, $0x3;
	s18 =	sadd.f32 s18, s25;
	s26 =	spop (v2sf)  }
0xc2: {  	v23 =	vand.u32 $0xFFFF0000, v0;
	v7 =	vbroadcast v21, $0x4;
	v0 =	vbroadcast v21, $0x6;
	s19 =	sadd.f32 s19, s28;
	s28 =	spop (v2sf)  }
0xc3: {  	v24 =	vand.u32 $0x1, v24;
	v62 =	vbroadcast v21, $0x7;
	v60 =	vbroadcast v21, $0x8;
	s18 =	sadd.f32 s18, s28  }
0xc4: {  	v17 =	vand.u32 $0xFFFF0000, v17;
	v58 =	vbroadcast v21, $0x9;
	v56 =	vbroadcast v21, $0xA  }
0xc5: {  	v54 =	vbroadcast v21, $0xB;
	v52 =	vbroadcast v21, $0xC;
	v18 =	vmov s18  }
0xc6: {  	v50 =	vbroadcast v21, $0xD;
	v48 =	vbroadcast v21, $0xE;
	s19 =	sadd.f32 s19, s30;
	v5 =	vshrl.u32 v18, $0x10  }
0xc7: {  	v16 =	vadd.s32 v24, v16;
	v46 =	vbroadcast v21, $0xF;
	v19 =	vbroadcast v5, $0x0  }
0xc8: {  	v16 =	vadd.s32 $0x7FFF, v16;
	s19 =	sadd.f32 s19, s22;
	v5 =	vbroadcast v21, $0x5;
	v21 =	vbroadcast v17, $0x2  }
0xc9: {  	v16 =	vand.u32 $0xFFFF0000, v16  }
0xca: {  	s19 =	sadd.f32 s19, s24;
	[tilespmem:$0x1FE10] =	vst v21;
	v19 =	vand.u32 $0x1, v19;
	v21 =	vbroadcast v16, $0x2  }
0xcb: {  	v18 =	vadd.s32 v19, v18;
	v19 =	vbroadcast v16, $0x3  }
0xcc: {  	s19 =	sadd.f32 s19, s26;
	[tilespmem:$0x1FE20] =	vst v21;
	v21 =	vbroadcast v17, $0x3  }
0xcd: {  	s29 =	spop (v2sf);
	[tilespmem:$0x1FE40] =	vst v19;
	v19 =	vbroadcast v17, $0x4  }
0xce: {  	s30 =	sadd.f32 s19, s29;
	[tilespmem:$0x1FE30] =	vst v21;
	v21 =	vbroadcast v16, $0x5  }
0xcf: {  	[tilespmem:$0x1FE50] =	vst v19;
	v19 =	vbroadcast v16, $0x4  }
0xd0: {  	v20 =	vmov s30;
	[tilespmem:$0x1FE80] =	vst v21;
	v21 =	vbroadcast v17, $0x6  }
0xd1: {  	v4 =	vshrl.u32 v20, $0x10;
	[tilespmem:$0x1FE60] =	vst v19;
	v19 =	vbroadcast v17, $0x5  }
0xd2: {  	v22 =	vbroadcast v4, $0x0;
	[tilespmem:$0x1FE90] =	vst v21;
	v21 =	vbroadcast v16, $0x7  }
0xd3: {  	[tilespmem:$0x1FE70] =	vst v19  }
0xd4: {  	v19 =	vand.u32 $0x1, v22;
	[tilespmem:$0x1FEC0] =	vst v21;
	v21 =	vbroadcast v17, $0x8  }
0xd5: {  	v19 =	vadd.s32 v19, v20;
	v20 =	vbroadcast v16, $0x6  }
0xd6: {  	[tilespmem:$0x1FED0] =	vst v21;
	v21 =	vbroadcast v16, $0x8  }
0xd7: {  	[tilespmem:$0x1FEA0] =	vst v20;
	v20 =	vbroadcast v17, $0x7  }
0xd8: {  	[tilespmem:$0x1FEE0] =	vst v21;
	v21 =	vbroadcast v17, $0x9  }
0xd9: {  	[tilespmem:$0x1FEB0] =	vst v20;
	v20 =	vshrl.u32 v3, $0x10  }
0xda: {  	v20 =	vand.u32 $0x1, v20;
	[tilespmem:$0x1FEF0] =	vst v21;
	v21 =	vbroadcast v16, $0xA  }
0xdb: {  	v3 =	vadd.s32 v20, v3;
	v20 =	vbroadcast v16, $0x9  }
0xdc: {  	[tilespmem:$0x1FF20] =	vst v21;
	v21 =	vbroadcast v17, $0xB  }
0xdd: {  	[tilespmem:$0x1FF00] =	vst v20;
	v20 =	vbroadcast v17, $0xA  }
0xde: {  	[tilespmem:$0x1FF30] =	vst v21;
	v21 =	vbroadcast v17, $0xC  }
0xdf: {  	v45 =	vbroadcast v17, $0x0;
	[tilespmem:$0x1FF10] =	vst v20;
	v20 =	vshrl.u32 v2, $0x10  }
0xe0: {  	v43 =	vbroadcast v17, $0x1;
	v20 =	vand.u32 $0x1, v20;
	[tilespmem:$0x1FF40] =	vst v21;
	v21 =	vbroadcast v17, $0xD  }
0xe1: {  	v2 =	vadd.s32 v20, v2;
	v20 =	vbroadcast v17, $0xE;
	v17 =	vbroadcast v17, $0xF;
	_ =	sdelay $0x1  }
0xe2: {  	[tilespmem:$0x1FF70] =	vst v17;
	v17 =	vbroadcast v16, $0xB;
	_ =	sdelay $0x1  }
0xe3: {  	[tilespmem:$0x1FF80] =	vst v17;
	v17 =	vbroadcast v16, $0xC;
	_ =	sdelay $0x1  }
0xe4: {  	[tilespmem:$0x1FF90] =	vst v17;
	v17 =	vbroadcast v16, $0xD  }
0xe5: {  	v44 =	vbroadcast v16, $0x0;
	v42 =	vbroadcast v16, $0x1  }
0xe6: {  	v3 =	vadd.s32 $0x7FFF, v3;
	[tilespmem:$0x1FFA0] =	vst v17;
	v17 =	vbroadcast v16, $0xE;
	v16 =	vbroadcast v16, $0xF  }
0xe7: {  	v3 =	vand.u32 $0xFFFF0000, v3  }
0xe8: {  	[tilespmem:$0x1FFC0] =	vst v16;
	v16 =	vbroadcast v3, $0x0;
	_ =	sdelay $0x1  }
0xe9: {  	[tilespmem:$0x1FFD0] =	vst v16;
	v16 =	vbroadcast v3, $0x1  }
0xea: {  	v18 =	vadd.s32 $0x7FFF, v18  }
0xeb: {  	s31 =	simm.s32 $0x0;
	v38 =	vbroadcast v3, $0x2;
	v2 =	vadd.s32 $0x7FFF, v2;
	[tilespmem:$0x1FFE0] =	vst v16;
	v16 =	vand.u32 $0xFFFF0000, v18  }
0xec: {  	[tilespmem:$0x1FFB0] =	vst v17;
	v17 =	vlaneseq.u32;
	v35 =	vbroadcast v16, $0x0;
	v16 =	vmov s31  }
0xed: {  	v2 =	vand.u32 $0xFFFF0000, v2;
	v17 =	vmul.u32 $0x24, v17;
	v16 =	vmul.u32 $0x24, v16  }
0xee: {  	v34 =	vbroadcast v3, $0x3;
	v3 =	vbroadcast v2, $0x0  }
0xef: {  	v18 =	vadd.s32 v17, v16  }
0xf0: {  	v15 =	vbroadcast v23, $0x0;
	[tilespmem:$0x1FFF0] =	vst v3;
	v3 =	vadd.s32 $0x7FFF, v19;
	v19 =	vor.u32 $0x1, v17  }
0xf1: {  	v13 =	vbroadcast v23, $0x1;
	v11 =	vbroadcast v23, $0x2;
	[tilespmem:$0x1FBF0] =	vst v19;
	v19 =	vadd.s32 v19, v16  }
0xf2: {  	v8 =	vbroadcast v23, $0x3;
	v6 =	vbroadcast v23, $0x4;
	[tilespmem:$0x1FF60] =	vst v20;
	v20 =	vor.u32 $0x2, v17  }
0xf3: {  	v1 =	vbroadcast v23, $0x6;
	v63 =	vbroadcast v23, $0x7;
	[tilespmem:$0x1FC00] =	vst v20;
	v20 =	vadd.s32 v20, v16  }
0xf4: {  	v61 =	vbroadcast v23, $0x8;
	v59 =	vbroadcast v23, $0x9;
	[tilespmem:$0x1FF50] =	vst v21;
	v21 =	vor.u32 $0x3, v17;
	v18 =	vld.idx.msk [tilespmem:v18+s5+$0x0], $0xffff  }
0xf5: {  	v57 =	vbroadcast v23, $0xA;
	v55 =	vbroadcast v23, $0xB;
	[tilespmem:$0x1FC10] =	vst v21;
	v21 =	vadd.s32 v21, v16  }
0xf6: {  	v53 =	vbroadcast v23, $0xC;
	v51 =	vbroadcast v23, $0xD;
	v22 =	vadd.s32 $0x4, v17;
	v19 =	vld.idx.msk [tilespmem:v19+s5+$0x0], $0xffff  }
0xf7: {  	v49 =	vbroadcast v23, $0xE;
	v47 =	vbroadcast v23, $0xF;
	[tilespmem:$0x1FC20] =	vst v22;
	v22 =	vadd.s32 v22, v16  }
0xf8: {  	v4 =	vbroadcast v23, $0x5;
	v23 =	vadd.s32 $0x5, v17;
	v25 =	vadd.s32 $0x6, v17;
	v20 =	vld.idx.msk [tilespmem:v20+s5+$0x0], $0xffff  }
0xf9: {  	[tilespmem:$0x1FC30] =	vst v23;
	v23 =	vadd.s32 v23, v16;
	v24 =	vmul.f32 v18, v14;
	v18 =	vmul.f32 v18, v15  }
0xfa: {  	v27 =	vadd.s32 $0x7, v17;
	[tilespmem:$0x1FC40] =	vst v25;
	v25 =	vadd.s32 v25, v16;
	v21 =	vld.idx.msk [tilespmem:v21+s5+$0x0], $0xffff  }
0xfb: {  	v26 =	vmul.f32 v19, v12;
	v19 =	vmul.f32 v19, v13;
	v18 =	vadd.f32 $0.0e+00, v18  }
0xfc: {  	v29 =	vadd.s32 $0x8, v17;
	[tilespmem:$0x1FC50] =	vst v27;
	v27 =	vadd.s32 v27, v16;
	v22 =	vld.idx.msk [tilespmem:v22+s5+$0x0], $0xffff;
	v24 =	vadd.f32 $0.0e+00, v24  }
0xfd: {  	v28 =	vmul.f32 v20, v10;
	v20 =	vmul.f32 v20, v11;
	v18 =	vadd.f32 v19, v18  }
0xfe: {  	v30 =	vadd.s32 v29, v16;
	v23 =	vld.idx.msk [tilespmem:v23+s5+$0x0], $0xffff;
	v24 =	vadd.f32 v26, v24;
	v19 =	vadd.s32 $0x9, v17  }
0xff: {  	v26 =	vmul.f32 v21, v9;
	v21 =	vmul.f32 v21, v8;
	v20 =	vadd.f32 v20, v18  }
0x100: {  	v25 =	vld.idx.msk [tilespmem:v25+s5+$0x0], $0xffff;
	v31 =	vadd.s32 v19, v16;
	v24 =	vadd.f32 v28, v24  }
0x101: {  	[tilespmem:$0x1FC60] =	vst v29;
	v18 =	vadd.s32 $0xA, v17;
	v20 =	vadd.f32 v21, v20;
	v21 =	vmul.f32 v22, v6  }
0x102: {  	v27 =	vld.idx.msk [tilespmem:v27+s5+$0x0], $0xffff;
	v28 =	vmul.f32 v22, v7;
	v29 =	vadd.s32 v18, v16;
	v24 =	vadd.f32 v26, v24  }
0x103: {  	[tilespmem:$0x1FC70] =	vst v19;
	v22 =	vadd.s32 $0xB, v17;
	v20 =	vadd.f32 v21, v20;
	v21 =	vmul.f32 v23, v4  }
0x104: {  	v19 =	vld.idx.msk [tilespmem:v30+s5+$0x0], $0xffff;
	v26 =	vmul.f32 v23, v5;
	v30 =	vadd.s32 v22, v16;
	v24 =	vadd.f32 v28, v24  }
0x105: {  	[tilespmem:$0x1FC80] =	vst v22;
	v23 =	vadd.s32 $0xC, v17;
	v20 =	vadd.f32 v21, v20;
	v21 =	vmul.f32 v25, v1  }
0x106: {  	v28 =	vmul.f32 v25, v0;
	v22 =	vld.idx.msk [tilespmem:v31+s5+$0x0], $0xffff;
	v31 =	vadd.s32 v23, v16;
	v24 =	vadd.f32 v26, v24  }
0x107: {  	[tilespmem:$0x1FC90] =	vst v23;
	v25 =	vadd.s32 $0xD, v17;
	v20 =	vadd.f32 v21, v20;
	v21 =	vmul.f32 v27, v63  }
0x108: {  	v26 =	vmul.f32 v27, v62;
	v23 =	vld.idx.msk [tilespmem:v29+s5+$0x0], $0xffff;
	v24 =	vadd.f32 v28, v24;
	v27 =	vadd.s32 v25, v16  }
0x109: {  	v28 =	vmul.f32 v19, v60;
	v19 =	vmul.f32 v19, v61;
	v20 =	vadd.f32 v21, v20  }
0x10a: {  	v29 =	vadd.s32 $0xE, v17;
	[tilespmem:$0x1FCA0] =	vst v25;
	v25 =	vld.idx.msk [tilespmem:v30+s5+$0x0], $0xffff  }
0x10b: {  	v30 =	vadd.s32 v29, v16;
	v19 =	vadd.f32 v19, v20;
	v20 =	vmul.f32 v22, v59  }
0x10c: {  	[tilespmem:$0x1FCB0] =	vst v29;
	v29 =	vadd.s32 $0xF, v17;
	v24 =	vadd.f32 v26, v24;
	v26 =	vmul.f32 v22, v58;
	v21 =	vld.idx.msk [tilespmem:v31+s5+$0x0], $0xffff  }
0x10d: {  	v31 =	vadd.s32 v29, v16;
	v19 =	vadd.f32 v20, v19;
	v20 =	vmul.f32 v23, v57  }
0x10e: {  	v24 =	vadd.f32 v28, v24;
	v22 =	vadd.s32 $0x10, v17;
	v28 =	vmul.f32 v23, v56;
	v27 =	vld.idx.msk [tilespmem:v27+s5+$0x0], $0xffff  }
0x10f: {  	v32 =	vadd.s32 v22, v16;
	v19 =	vadd.f32 v20, v19;
	v20 =	vmul.f32 v25, v55  }
0x110: {  	[tilespmem:$0x1FCD0] =	vst v22;
	v22 =	vld.idx.msk [tilespmem:v30+s5+$0x0], $0xffff;
	v24 =	vadd.f32 v26, v24;
	v23 =	vadd.s32 $0x11, v17;
	v26 =	vmul.f32 v25, v54  }
0x111: {  	v25 =	vadd.s32 v23, v16;
	v19 =	vadd.f32 v20, v19;
	v20 =	vmul.f32 v21, v53  }
0x112: {  	[tilespmem:$0x1FCE0] =	vst v23;
	v23 =	vld.idx.msk [tilespmem:v31+s5+$0x0], $0xffff  }
0x113: {  	v19 =	vadd.f32 v20, v19;
	v20 =	vmul.f32 v27, v51  }
0x114: {  	v24 =	vadd.f32 v28, v24;
	v28 =	vmul.f32 v21, v52;
	v21 =	vld.idx.msk [tilespmem:v32+s5+$0x0], $0xffff  }
0x115: {  	v19 =	vadd.f32 v20, v19;
	v20 =	vmul.f32 v22, v49  }
0x116: {  	[tilespmem:$0x1FCC0] =	vst v29;
	v29 =	vadd.s32 $0x12, v17;
	v25 =	vld.idx.msk [tilespmem:v25+s5+$0x0], $0xffff  }
0x117: {  	v30 =	vadd.s32 v29, v16;
	v19 =	vadd.f32 v20, v19;
	v20 =	vmul.f32 v23, v47;
	_ =	sdelay $0x1  }
0x118: {  	v19 =	vadd.f32 v20, v19;
	v20 =	vmul.f32 v21, v44  }
0x119: {  	v24 =	vadd.f32 v26, v24  }
0x11a: {  	v19 =	vadd.f32 v20, v19;
	v20 =	vmul.f32 v25, v42  }
0x11b: {  	v24 =	vadd.f32 v28, v24;
	v28 =	vmul.f32 v22, v48;
	v22 =	vld.idx.msk [tilespmem:v30+s5+$0x0], $0xffff  }
0x11c: {  	[tilespmem:$0x1FCF0] =	vst v29;
	v29 =	vadd.s32 $0x13, v17;
	v19 =	vadd.f32 v20, v19;
	v20 =	vld [tilespmem:$0x1FE20]  }
0x11d: {  	v26 =	vmul.f32 v27, v50;
	v27 =	vadd.s32 v29, v16;
	_ =	sdelay $0x3  }
0x11e: {  	v20 =	vmul.f32 v22, v20  }
0x11f: {  	v27 =	vld.idx.msk [tilespmem:v27+s5+$0x0], $0xffff  }
0x120: {  	[tilespmem:$0x1FD00] =	vst v29;
	v29 =	vadd.s32 $0x14, v17;
	v19 =	vadd.f32 v20, v19;
	v20 =	vld [tilespmem:$0x1FE40]  }
0x121: {  	v31 =	vadd.s32 v29, v16;
	_ =	sdelay $0x2  }
0x122: {  	v24 =	vadd.f32 v26, v24  }
0x123: {  	v20 =	vmul.f32 v27, v20  }
0x124: {  	v26 =	vmul.f32 v23, v46;
	v24 =	vadd.f32 v28, v24;
	v28 =	vmul.f32 v21, v45;
	v21 =	vld.idx.msk [tilespmem:v31+s5+$0x0], $0xffff  }
0x125: {  	[tilespmem:$0x1FD10] =	vst v29;
	v29 =	vadd.s32 $0x15, v17;
	v19 =	vadd.f32 v20, v19;
	v20 =	vld [tilespmem:$0x1FE60]  }
0x126: {  	v23 =	vadd.s32 v29, v16;
	v24 =	vadd.f32 v26, v24;
	_ =	sdelay $0x1  }
0x127: {  	v24 =	vadd.f32 v28, v24;
	v28 =	vld [tilespmem:$0x1FE10];
	_ =	sdelay $0x1  }
0x128: {  	v20 =	vmul.f32 v21, v20  }
0x129: {  	v23 =	vld.idx.msk [tilespmem:v23+s5+$0x0], $0xffff  }
0x12a: {  	[tilespmem:$0x1FD20] =	vst v29;
	v29 =	vadd.s32 $0x16, v17;
	v19 =	vadd.f32 v20, v19;
	v20 =	vld [tilespmem:$0x1FE80]  }
0x12b: {  	v30 =	vadd.s32 v29, v16;
	v28 =	vmul.f32 v22, v28;
	v22 =	vld [tilespmem:$0x1FE30];
	_ =	sdelay $0x2  }
0x12c: {  	v26 =	vmul.f32 v25, v43  }
0x12d: {  	v20 =	vmul.f32 v23, v20  }
0x12e: {  	v24 =	vadd.f32 v26, v24;
	v26 =	vmul.f32 v27, v22;
	v22 =	vld.idx.msk [tilespmem:v30+s5+$0x0], $0xffff  }
0x12f: {  	[tilespmem:$0x1FD30] =	vst v29;
	v29 =	vadd.s32 $0x17, v17;
	v19 =	vadd.f32 v20, v19;
	v20 =	vld [tilespmem:$0x1FEA0]  }
0x130: {  	v25 =	vadd.s32 v29, v16;
	_ =	sdelay $0x1  }
0x131: {  	v24 =	vadd.f32 v28, v24;
	v28 =	vld [tilespmem:$0x1FE50];
	_ =	sdelay $0x1  }
0x132: {  	v20 =	vmul.f32 v22, v20  }
0x133: {  	v25 =	vld.idx.msk [tilespmem:v25+s5+$0x0], $0xffff  }
0x134: {  	[tilespmem:$0x1FD40] =	vst v29;
	v29 =	vadd.s32 $0x18, v17;
	v19 =	vadd.f32 v20, v19;
	v20 =	vld [tilespmem:$0x1FEC0]  }
0x135: {  	v31 =	vadd.s32 v29, v16;
	v28 =	vmul.f32 v21, v28;
	v21 =	vld [tilespmem:$0x1FE70];
	_ =	sdelay $0x3  }
0x136: {  	v20 =	vmul.f32 v25, v20  }
0x137: {  	v24 =	vadd.f32 v26, v24;
	v26 =	vmul.f32 v23, v21;
	v21 =	vld.idx.msk [tilespmem:v31+s5+$0x0], $0xffff  }
0x138: {  	[tilespmem:$0x1FD50] =	vst v29;
	v29 =	vadd.s32 $0x19, v17;
	v19 =	vadd.f32 v20, v19;
	v20 =	vld [tilespmem:$0x1FEE0]  }
0x139: {  	v27 =	vadd.s32 v29, v16;
	_ =	sdelay $0x1  }
0x13a: {  	v24 =	vadd.f32 v28, v24;
	v28 =	vld [tilespmem:$0x1FE90];
	_ =	sdelay $0x1  }
0x13b: {  	v20 =	vmul.f32 v21, v20  }
0x13c: {  	v27 =	vld.idx.msk [tilespmem:v27+s5+$0x0], $0xffff  }
0x13d: {  	[tilespmem:$0x1FD60] =	vst v29;
	v29 =	vadd.s32 $0x1A, v17;
	v19 =	vadd.f32 v20, v19;
	v20 =	vld [tilespmem:$0x1FF00]  }
0x13e: {  	v30 =	vadd.s32 v29, v16;
	v28 =	vmul.f32 v22, v28;
	v22 =	vld [tilespmem:$0x1FEB0];
	_ =	sdelay $0x3  }
0x13f: {  	v20 =	vmul.f32 v27, v20  }
0x140: {  	v24 =	vadd.f32 v26, v24;
	v26 =	vmul.f32 v25, v22;
	v22 =	vld.idx.msk [tilespmem:v30+s5+$0x0], $0xffff  }
0x141: {  	[tilespmem:$0x1FD70] =	vst v29;
	v29 =	vadd.s32 $0x1B, v17;
	v19 =	vadd.f32 v20, v19;
	v20 =	vld [tilespmem:$0x1FF20]  }
0x142: {  	v23 =	vadd.s32 v29, v16;
	_ =	sdelay $0x1  }
0x143: {  	v24 =	vadd.f32 v28, v24;
	v28 =	vld [tilespmem:$0x1FED0];
	_ =	sdelay $0x1  }
0x144: {  	v20 =	vmul.f32 v22, v20  }
0x145: {  	v23 =	vld.idx.msk [tilespmem:v23+s5+$0x0], $0xffff  }
0x146: {  	[tilespmem:$0x1FD80] =	vst v29;
	v29 =	vadd.s32 $0x1C, v17;
	v19 =	vadd.f32 v20, v19;
	v20 =	vld [tilespmem:$0x1FF80]  }
0x147: {  	v31 =	vadd.s32 v29, v16;
	v28 =	vmul.f32 v21, v28;
	v21 =	vld [tilespmem:$0x1FEF0]  }
0x148: {  	v24 =	vadd.f32 v26, v24;
	_ =	sdelay $0x1  }
0x149: {  	v24 =	vadd.f32 v28, v24;
	v28 =	vld [tilespmem:$0x1FF10]  }
0x14a: {  	v20 =	vmul.f32 v23, v20  }
0x14b: {  	v26 =	vmul.f32 v27, v21;
	v21 =	vld.idx.msk [tilespmem:v31+s5+$0x0], $0xffff  }
0x14c: {  	[tilespmem:$0x1FD90] =	vst v29;
	v29 =	vadd.s32 $0x1D, v17;
	v19 =	vadd.f32 v20, v19;
	v20 =	vld [tilespmem:$0x1FF90]  }
0x14d: {  	v25 =	vadd.s32 v29, v16  }
0x14e: {  	v28 =	vmul.f32 v22, v28;
	v24 =	vadd.f32 v26, v24;
	_ =	sdelay $0x1  }
0x14f: {  	v24 =	vadd.f32 v28, v24;
	v28 =	vld [tilespmem:$0x1FF40]  }
0x150: {  	v22 =	vld [tilespmem:$0x1FF30];
	v20 =	vmul.f32 v21, v20  }
0x151: {  	v25 =	vld.idx.msk [tilespmem:v25+s5+$0x0], $0xffff  }
0x152: {  	[tilespmem:$0x1FDA0] =	vst v29;
	v29 =	vadd.s32 $0x1E, v17;
	v19 =	vadd.f32 v20, v19;
	v20 =	vld [tilespmem:$0x1FFA0]  }
0x153: {  	v30 =	vadd.s32 v29, v16  }
0x154: {  	[tilespmem:$0x1FDB0] =	vst v29;
	v29 =	vadd.s32 $0x1F, v17;
	v28 =	vmul.f32 v21, v28;
	v21 =	vld [tilespmem:$0x1FF50]  }
0x155: {  	v27 =	vadd.s32 v29, v16;
	v22 =	vmul.f32 v23, v22;
	_ =	sdelay $0x1  }
0x156: {  	[tilespmem:$0x1FDC0] =	vst v29;
	v29 =	vadd.s32 $0x20, v17;
	v22 =	vadd.f32 v22, v24;
	v20 =	vmul.f32 v25, v20  }
0x157: {  	v26 =	vld.idx.msk [tilespmem:v30+s5+$0x0], $0xffff;
	[tilespmem:$0x1FDD0] =	vst v29;
	v31 =	vadd.s32 v29, v16;
	v29 =	vadd.s32 $0x21, v17  }
0x158: {  	v24 =	vadd.f32 v28, v22;
	v21 =	vmul.f32 v25, v21;
	v19 =	vadd.f32 v20, v19;
	v20 =	vld [tilespmem:$0x1FFB0]  }
0x159: {  	v27 =	vld.idx.msk [tilespmem:v27+s5+$0x0], $0xffff;
	v23 =	vadd.s32 v29, v16  }
0x15a: {  	v30 =	vadd.s32 $0x22, v17;
	[tilespmem:$0x1FDE0] =	vst v29;
	v29 =	vadd.s32 $0x23, v17;
	v21 =	vadd.f32 v21, v24;
	v24 =	vld [tilespmem:$0x1FF70]  }
0x15b: {  	[tilespmem:$0x1FE00] =	vst v29;
	v29 =	vadd.s32 v29, v16;
	v25 =	vadd.s32 v30, v16;
	v16 =	vld [tilespmem:$0x1FF60];
	_ =	sdelay $0x1  }
0x15c: {  	s18 =	simm.s32 $0x10;
	v28 =	vld.idx.msk [tilespmem:v31+s5+$0x0], $0xffff;
	v20 =	vmul.f32 v26, v20  }
0x15d: {  	v22 =	vld.idx.msk [tilespmem:v23+s5+$0x0], $0xffff;
	v23 =	vmov s18  }
0x15e: {  	[tilespmem:$0x1FDF0] =	vst v30;
	v30 =	vmul.f32 v27, v24;
	v24 =	vadd.f32 v20, v19;
	v19 =	vmul.u32 $0x24, v23;
	v23 =	vld [tilespmem:$0x1FFD0]  }
0x15f: {  	v16 =	vmul.f32 v26, v16;
	_ =	sdelay $0x1  }
0x160: {  	v26 =	vadd.f32 v16, v21;
	v16 =	vld [tilespmem:$0x1FFC0]  }
0x161: {  	v21 =	vld.idx.msk [tilespmem:v25+s5+$0x0], $0xffff  }
0x162: {  	v25 =	vmul.f32 v28, v23;
	v23 =	vld [tilespmem:$0x1FFF0];
	_ =	sdelay $0x4  }
0x163: {  	v20 =	vmul.f32 v27, v16;
	v27 =	vadd.f32 v30, v26;
	v26 =	vmul.f32 v28, v23;
	v23 =	vld [tilespmem:$0x1FFE0];
	_ =	sdelay $0x1  }
0x164: {  	v41 =	vbroadcast v2, $0x1;
	v39 =	vbroadcast v2, $0x2  }
0x165: {  	v37 =	vbroadcast v2, $0x3;
	v2 =	vimm.s32 $0x0;
	v3 =	vand.u32 $0xFFFF0000, v3  }
0x166: {  	v36 =	vbroadcast v3, $0x0;
	v3 =	vimm.f32 $-Inf;
	v16 =	vor.u32 s31, v33  }
0x167: {  	s19 =	simm.s32 $0x20;
	v24 =	vadd.f32 v20, v24;
	v20 =	vld.idx.msk [tilespmem:v29+s5+$0x0], $0xffff;
	v28 =	vadd.s32 v17, v19;
	v23 =	vmul.f32 v22, v23  }
.LBB2_4:
0x168: {  	_ = 	snop  }
0x169: {  	v25 =	vadd.f32 v25, v27;
	v22 =	vmul.f32 v22, v41;
	v24 =	vadd.f32 v26, v24;
	_ =	sdelay $0x1  }
0x16a: {  	v26 =	vor.u32 $0x1, v17;
	v23 =	vadd.f32 v23, v25;
	v22 =	vadd.f32 v22, v24  }
0x16b: {  	v24 =	vadd.s32 v26, v19;
	v29 =	vmul.f32 v21, v38;
	v21 =	vmul.f32 v21, v39  }
0x16c: {  	v31 =	vadd.s32 $0x4, v17;
	v26 =	vmul.f32 v20, v34  }
0x16d: {  	v20 =	vmul.f32 v20, v37;
	v23 =	vadd.f32 v29, v23;
	v21 =	vadd.f32 v21, v22  }
0x16e: {  	v30 =	vor.u32 $0x3, v17;
	v31 =	vadd.s32 v31, v19;
	v25 =	vor.u32 $0x2, v17  }
0x16f: {  	v25 =	vadd.s32 v25, v19;
	v22 =	vld.idx.msk [tilespmem:v28+s5+$0x0], $0xffff;
	v23 =	vadd.f32 v26, v23;
	v20 =	vadd.f32 v20, v21  }
0x170: {  	v40 =	vmovc v39;
	v39 =	vmovc v38;
	v38 =	vmov v37;
	v28 =	vadd.s32 $0x7, v17;
	v21 =	vadd.s32 v30, v19;
	v24 =	vld.idx.msk [tilespmem:v24+s5+$0x0], $0xffff  }
0x171: {  	v37 =	vmovc v34;
	v34 =	vmovc v33;
	v26 =	vadd.s32 $0x5, v17;
	v32 =	vshrl.u32 v23, $0x10;
	v33 =	vshrl.u32 v20, $0x10  }
0x172: {  	v30 =	vadd.s32 $0x6, v17;
	v32 =	vand.u32 $0x1, v32;
	v33 =	vand.u32 $0x1, v33  }
0x173: {  	v26 =	vadd.s32 v26, v19;
	v23 =	vadd.s32 v32, v23;
	v20 =	vadd.s32 v33, v20  }
0x174: {  	v25 =	vld.idx.msk [tilespmem:v25+s5+$0x0], $0xffff;
	v32 =	vmul.f32 v22, v14;
	v22 =	vmul.f32 v22, v15;
	v23 =	vadd.s32 $0x7FFF, v23  }
0x175: {  	v20 =	vadd.s32 $0x7FFF, v20;
	v33 =	vmul.f32 v24, v12;
	v24 =	vmul.f32 v24, v13  }
0x176: {  	v21 =	vld.idx.msk [tilespmem:v21+s5+$0x0], $0xffff;
	v23 =	vand.u32 $0xFFFF0000, v23;
	v20 =	vand.u32 $0xFFFF0000, v20;
	v22 =	vadd.f32 $0.0e+00, v22  }
0x177: {  	v30 =	vadd.s32 v30, v19;
	v23 =	vmul.f32 v23, v35;
	v20 =	vmul.f32 v20, v36  }
0x178: {  	v29 =	vadd.s32 $0x8, v17;
	v31 =	vld.idx.msk [tilespmem:v31+s5+$0x0], $0xffff;
	v28 =	vadd.s32 v28, v19;
	v22 =	vadd.f32 v24, v22  }
0x179: {  	v20 =	vadd.f32 v20, v23;
	v23 =	vmul.f32 v25, v10;
	v25 =	vmul.f32 v25, v11  }
0x17a: {  	v27 =	vadd.s32 $0x9, v17;
	v29 =	vadd.s32 v29, v19;
	v32 =	vadd.f32 $0.0e+00, v32;
	v26 =	vld.idx.msk [tilespmem:v26+s5+$0x0], $0xffff  }
0x17b: {  	v24 =	vmul.f32 v21, v9;
	v21 =	vmul.f32 v21, v8;
	v22 =	vadd.f32 v25, v22  }
0x17c: {  	v27 =	vadd.s32 v27, v19;
	v30 =	vld.idx.msk [tilespmem:v30+s5+$0x0], $0xffff;
	v32 =	vadd.f32 v33, v32  }
0x17d: {  	v33 =	vmovc v34;
	v34 =	vmov v37;
	v21 =	vadd.f32 v21, v22;
	v22 =	vmul.f32 v31, v6  }
0x17e: {  	v37 =	vmovc v38;
	v38 =	vmovc v39;
	v39 =	vmov v40;
	v40 =	vadd.s32 $0xB, v17;
	vm0 =	vgt.f32 v20, v3;
	v25 =	vld.idx.msk [tilespmem:v28+s5+$0x0], $0xffff  }
0x17f: {  	v28 =	vadd.s32 v18, v19;
	v21 =	vadd.f32 v22, v21;
	v22 =	vmul.f32 v26, v4  }
0x180: {  	v29 =	vld.idx.msk [tilespmem:v29+s5+$0x0], $0xffff;
	v3 =	vsel vm0, v20, v3;
	v20 =	vadd.f32 v23, v32;
	v23 =	vmul.f32 v31, v7  }
0x181: {  	v31 =	vadd.s32 v40, v19;
	v21 =	vadd.f32 v22, v21;
	v22 =	vmul.f32 v30, v1  }
0x182: {  	v40 =	vadd.s32 $0xC, v17;
	v20 =	vadd.f32 v24, v20;
	v24 =	vmul.f32 v26, v5;
	v26 =	vld.idx.msk [tilespmem:v27+s5+$0x0], $0xffff  }
0x183: {  	v27 =	vadd.s32 v40, v19;
	v21 =	vadd.f32 v22, v21;
	v22 =	vmul.f32 v25, v63  }
0x184: {  	v40 =	vadd.s32 $0xD, v17;
	v20 =	vadd.f32 v23, v20;
	v23 =	vmul.f32 v30, v0;
	v28 =	vld.idx.msk [tilespmem:v28+s5+$0x0], $0xffff  }
0x185: {  	v30 =	vadd.s32 v40, v19;
	v21 =	vadd.f32 v22, v21;
	v22 =	vmul.f32 v29, v61  }
0x186: {  	v40 =	vadd.s32 $0xE, v17;
	v20 =	vadd.f32 v24, v20;
	v24 =	vmul.f32 v25, v62;
	v25 =	vld.idx.msk [tilespmem:v31+s5+$0x0], $0xffff  }
0x187: {  	v31 =	vadd.s32 v40, v19;
	v21 =	vadd.f32 v22, v21;
	v22 =	vmul.f32 v26, v59  }
0x188: {  	v40 =	vadd.s32 $0xF, v17;
	v20 =	vadd.f32 v23, v20;
	v23 =	vmul.f32 v29, v60;
	v27 =	vld.idx.msk [tilespmem:v27+s5+$0x0], $0xffff  }
0x189: {  	v29 =	vadd.s32 v40, v19;
	v21 =	vadd.f32 v22, v21;
	v22 =	vmul.f32 v28, v57  }
0x18a: {  	v40 =	vadd.s32 $0x10, v17;
	v20 =	vadd.f32 v24, v20;
	v24 =	vmul.f32 v26, v58;
	v26 =	vld.idx.msk [tilespmem:v30+s5+$0x0], $0xffff  }
0x18b: {  	v30 =	vadd.s32 v40, v19;
	v21 =	vadd.f32 v22, v21;
	v22 =	vmul.f32 v25, v55  }
0x18c: {  	v40 =	vadd.s32 $0x11, v17;
	v20 =	vadd.f32 v23, v20;
	v23 =	vmul.f32 v28, v56;
	v28 =	vld.idx.msk [tilespmem:v31+s5+$0x0], $0xffff  }
0x18d: {  	v31 =	vadd.s32 v40, v19;
	v21 =	vadd.f32 v22, v21;
	v22 =	vmul.f32 v27, v53  }
0x18e: {  	v20 =	vadd.f32 v24, v20;
	v24 =	vmul.f32 v25, v54;
	v25 =	vld.idx.msk [tilespmem:v29+s5+$0x0], $0xffff  }
0x18f: {  	v21 =	vadd.f32 v22, v21;
	v22 =	vmul.f32 v26, v51  }
0x190: {  	v20 =	vadd.f32 v23, v20;
	v23 =	vmul.f32 v27, v52;
	v27 =	vld.idx.msk [tilespmem:v30+s5+$0x0], $0xffff  }
0x191: {  	v21 =	vadd.f32 v22, v21;
	v22 =	vmul.f32 v28, v49  }
0x192: {  	v40 =	vadd.s32 $0x12, v17;
	v20 =	vadd.f32 v24, v20;
	v24 =	vmul.f32 v26, v50;
	v26 =	vld.idx.msk [tilespmem:v31+s5+$0x0], $0xffff  }
0x193: {  	v29 =	vadd.s32 v40, v19;
	v21 =	vadd.f32 v22, v21;
	v22 =	vmul.f32 v25, v47;
	_ =	sdelay $0x1  }
0x194: {  	v21 =	vadd.f32 v22, v21;
	v22 =	vmul.f32 v27, v44;
	_ =	sdelay $0x1  }
0x195: {  	v21 =	vadd.f32 v22, v21;
	v22 =	vmul.f32 v26, v42  }
0x196: {  	v20 =	vadd.f32 v23, v20;
	v23 =	vmul.f32 v28, v48;
	v28 =	vld.idx.msk [tilespmem:v29+s5+$0x0], $0xffff  }
0x197: {  	v40 =	vadd.s32 $0x13, v17;
	v21 =	vadd.f32 v22, v21;
	v22 =	vld [tilespmem:$0x1FE20]  }
0x198: {  	v30 =	vadd.s32 v40, v19;
	_ =	sdelay $0x3  }
0x199: {  	v22 =	vmul.f32 v28, v22  }
0x19a: {  	v20 =	vadd.f32 v24, v20;
	v24 =	vmul.f32 v25, v46;
	v25 =	vld.idx.msk [tilespmem:v30+s5+$0x0], $0xffff  }
0x19b: {  	v40 =	vadd.s32 $0x14, v17;
	v21 =	vadd.f32 v22, v21;
	v22 =	vld [tilespmem:$0x1FE40]  }
0x19c: {  	v31 =	vadd.s32 v40, v19;
	_ =	sdelay $0x3  }
0x19d: {  	v22 =	vmul.f32 v25, v22  }
0x19e: {  	v20 =	vadd.f32 v23, v20;
	v23 =	vmul.f32 v27, v45;
	v27 =	vld.idx.msk [tilespmem:v31+s5+$0x0], $0xffff  }
0x19f: {  	v40 =	vadd.s32 $0x15, v17;
	v21 =	vadd.f32 v22, v21;
	v22 =	vld [tilespmem:$0x1FE60]  }
0x1a0: {  	v29 =	vadd.s32 v40, v19;
	_ =	sdelay $0x3  }
0x1a1: {  	v22 =	vmul.f32 v27, v22  }
0x1a2: {  	v20 =	vadd.f32 v24, v20;
	v24 =	vmul.f32 v26, v43;
	v26 =	vld.idx.msk [tilespmem:v29+s5+$0x0], $0xffff  }
0x1a3: {  	v40 =	vadd.s32 $0x16, v17;
	v21 =	vadd.f32 v22, v21;
	v22 =	vld [tilespmem:$0x1FE80]  }
0x1a4: {  	v30 =	vadd.s32 v40, v19;
	v20 =	vadd.f32 v23, v20;
	v23 =	vld [tilespmem:$0x1FE10];
	_ =	sdelay $0x3  }
0x1a5: {  	v22 =	vmul.f32 v26, v22  }
0x1a6: {  	v23 =	vmul.f32 v28, v23;
	v28 =	vld.idx.msk [tilespmem:v30+s5+$0x0], $0xffff  }
0x1a7: {  	v40 =	vadd.s32 $0x17, v17;
	v21 =	vadd.f32 v22, v21;
	v22 =	vld [tilespmem:$0x1FEA0]  }
0x1a8: {  	v31 =	vadd.s32 v40, v19;
	v20 =	vadd.f32 v24, v20;
	v24 =	vld [tilespmem:$0x1FE30];
	_ =	sdelay $0x3  }
0x1a9: {  	v22 =	vmul.f32 v28, v22  }
0x1aa: {  	v24 =	vmul.f32 v25, v24;
	v25 =	vld.idx.msk [tilespmem:v31+s5+$0x0], $0xffff  }
0x1ab: {  	v40 =	vadd.s32 $0x18, v17;
	v21 =	vadd.f32 v22, v21;
	v22 =	vld [tilespmem:$0x1FEC0]  }
0x1ac: {  	v29 =	vadd.s32 v40, v19;
	v20 =	vadd.f32 v23, v20;
	v23 =	vld [tilespmem:$0x1FE50];
	_ =	sdelay $0x1  }
0x1ad: {  	v20 =	vadd.f32 v24, v20;
	v24 =	vld [tilespmem:$0x1FE70];
	_ =	sdelay $0x1  }
0x1ae: {  	v22 =	vmul.f32 v25, v22  }
0x1af: {  	v23 =	vmul.f32 v27, v23;
	v27 =	vld.idx.msk [tilespmem:v29+s5+$0x0], $0xffff  }
0x1b0: {  	v40 =	vadd.s32 $0x19, v17;
	v21 =	vadd.f32 v22, v21;
	v22 =	vld [tilespmem:$0x1FEE0]  }
0x1b1: {  	v30 =	vadd.s32 v40, v19;
	v24 =	vmul.f32 v26, v24;
	v20 =	vadd.f32 v23, v20;
	v23 =	vld [tilespmem:$0x1FE90];
	_ =	sdelay $0x1  }
0x1b2: {  	v20 =	vadd.f32 v24, v20;
	v24 =	vld [tilespmem:$0x1FEB0];
	_ =	sdelay $0x1  }
0x1b3: {  	v22 =	vmul.f32 v27, v22  }
0x1b4: {  	v23 =	vmul.f32 v28, v23;
	v26 =	vld.idx.msk [tilespmem:v30+s5+$0x0], $0xffff  }
0x1b5: {  	v40 =	vadd.s32 $0x1A, v17;
	v21 =	vadd.f32 v22, v21;
	v22 =	vld [tilespmem:$0x1FF00]  }
0x1b6: {  	v31 =	vadd.s32 v40, v19;
	v24 =	vmul.f32 v25, v24;
	v20 =	vadd.f32 v23, v20;
	v23 =	vld [tilespmem:$0x1FED0];
	_ =	sdelay $0x1  }
0x1b7: {  	v20 =	vadd.f32 v24, v20;
	v24 =	vld [tilespmem:$0x1FEF0];
	_ =	sdelay $0x1  }
0x1b8: {  	v40 =	vadd.s32 $0x1B, v17;
	v22 =	vmul.f32 v26, v22  }
0x1b9: {  	v29 =	vadd.s32 v40, v19;
	v23 =	vmul.f32 v27, v23;
	v28 =	vld.idx.msk [tilespmem:v31+s5+$0x0], $0xffff  }
0x1ba: {  	v21 =	vadd.f32 v22, v21;
	v22 =	vld [tilespmem:$0x1FF20]  }
0x1bb: {  	v20 =	vadd.f32 v23, v20;
	v24 =	vmul.f32 v26, v24  }
0x1bc: {  	v23 =	vld [tilespmem:$0x1FF10]  }
0x1bd: {  	v20 =	vadd.f32 v24, v20;
	v24 =	vld [tilespmem:$0x1FF30]  }
0x1be: {  	v40 =	vadd.s32 $0x1C, v17;
	v25 =	vld.idx.msk [tilespmem:v29+s5+$0x0], $0xffff  }
0x1bf: {  	v30 =	vadd.s32 v40, v19;
	v22 =	vmul.f32 v28, v22  }
0x1c0: {  	v40 =	vadd.s32 $0x1D, v17  }
0x1c1: {  	v31 =	vadd.s32 v40, v19;
	v23 =	vmul.f32 v28, v23;
	v21 =	vadd.f32 v22, v21;
	v22 =	vld [tilespmem:$0x1FF80];
	_ =	sdelay $0x1  }
0x1c2: {  	v20 =	vadd.f32 v23, v20;
	v23 =	vld [tilespmem:$0x1FF40];
	v24 =	vmul.f32 v25, v24  }
0x1c3: {  	v27 =	vld.idx.msk [tilespmem:v30+s5+$0x0], $0xffff  }
0x1c4: {  	v20 =	vadd.f32 v24, v20;
	v24 =	vld [tilespmem:$0x1FF50]  }
0x1c5: {  	v40 =	vadd.s32 $0x1E, v17;
	v26 =	vld.idx.msk [tilespmem:v31+s5+$0x0], $0xffff;
	v22 =	vmul.f32 v25, v22  }
0x1c6: {  	v29 =	vadd.s32 v40, v19  }
0x1c7: {  	v40 =	vadd.s32 $0x1F, v17;
	v21 =	vadd.f32 v22, v21;
	v22 =	vld [tilespmem:$0x1FF90]  }
0x1c8: {  	v30 =	vadd.s32 v40, v19;
	v40 =	vadd.s32 $0x20, v17;
	v23 =	vmul.f32 v27, v23  }
0x1c9: {  	v2 =	vsel vm0, v16, v2;
	v31 =	vadd.s32 v40, v19  }
0x1ca: {  	v40 =	vadd.s32 $0x21, v17;
	v16 =	vadd.f32 v23, v20;
	v20 =	vld [tilespmem:$0x1FFA0];
	v24 =	vmul.f32 v26, v24  }
0x1cb: {  	v28 =	vld.idx.msk [tilespmem:v29+s5+$0x0], $0xffff;
	v29 =	vadd.s32 v40, v19  }
0x1cc: {  	v40 =	vadd.s32 $0x22, v17;
	v24 =	vadd.f32 v24, v16;
	v16 =	vld [tilespmem:$0x1FFB0];
	v22 =	vmul.f32 v27, v22  }
0x1cd: {  	v25 =	vld.idx.msk [tilespmem:v30+s5+$0x0], $0xffff;
	v30 =	vadd.s32 v40, v19;
	v40 =	vadd.s32 $0x23, v17  }
0x1ce: {  	v27 =	vadd.s32 v40, v19;
	v19 =	vadd.f32 v22, v21;
	v21 =	vld [tilespmem:$0x1FF60];
	_ =	sdelay $0x2  }
0x1cf: {  	v20 =	vmul.f32 v26, v20;
	_ =	sdelay $0x1  }
0x1d0: {  	v31 =	vld.idx.msk [tilespmem:v31+s5+$0x0], $0xffff;
	v19 =	vadd.f32 v20, v19;
	v20 =	vmul.f32 v28, v16;
	v23 =	vmul.f32 v28, v21  }
0x1d1: {  	v16 =	vld [tilespmem:$0x1FF70]  }
0x1d2: {  	v23 =	vadd.f32 v23, v24;
	v24 =	vadd.f32 v20, v19;
	v19 =	vld [tilespmem:$0x1FFC0]  }
0x1d3: {  	v20 =	vld [tilespmem:$0x1FFD0];
	_ =	sdelay $0x3  }
0x1d4: {  	v22 =	vld.idx.msk [tilespmem:v29+s5+$0x0], $0xffff;
	v28 =	vmul.f32 v25, v16  }
0x1d5: {  	v29 =	vmul.f32 v25, v19;
	v25 =	vmul.f32 v31, v20;
	v20 =	vld.idx.msk [tilespmem:v27+s5+$0x0], $0xffff  }
0x1d6: {  	v27 =	vadd.f32 v28, v23;
	v23 =	vld [tilespmem:$0x1FFF0];
	_ =	sdelay $0x3  }
0x1d7: {  	v26 =	vmov s19  }
0x1d8: {  	p0 =	sne.s32 s19, $0x3F0;
	v19 =	vmul.u32 $0x24, v26;
	v26 =	vmul.f32 v31, v23;
	v23 =	vld [tilespmem:$0x1FFE0]  }
.Ltmp1:
0x1d9: {  	_ = 	snop;
	(pc) =	sbr.rel @p0 .LBB2_4-.Ltmp1, $3  }
0x1da: {  	_ =	sdelay $0x1  }
0x1db: {  	v16 =	vor.u32 s18, v33  }
0x1dc: {  	v21 =	vld.idx.msk [tilespmem:v30+s5+$0x0], $0xffff;
	s18 =	smov.u32 s19;
	s19 =	sadd.s32 $0x10, s19;
	v24 =	vadd.f32 v29, v24;
	v28 =	vadd.s32 v17, v19;
	v23 =	vmul.f32 v22, v23  }
0x1dd: {  	v17 =	vld [tilespmem:$0x1FBF0];
	_ =	sdelay $0x1  }
0x1de: {  	v29 =	vld [tilespmem:$0x1FC00]  }
0x1df: {  	v30 =	vld [tilespmem:$0x1FC10];
	_ =	sdelay $0x1  }
0x1e0: {  	v31 =	vld [tilespmem:$0x1FC20];
	v17 =	vadd.s32 v17, v19  }
0x1e1: {  	v32 =	vld [tilespmem:$0x1FC30]  }
0x1e2: {  	v29 =	vadd.s32 v29, v19  }
0x1e3: {  	v28 =	vld.idx.msk [tilespmem:v28+s5+$0x0], $0xffff;
	v30 =	vadd.s32 v30, v19  }
0x1e4: {  	v40 =	vld [tilespmem:$0x1FC40]  }
0x1e5: {  	v31 =	vadd.s32 v31, v19;
	v17 =	vld.idx.msk [tilespmem:v17+s5+$0x0], $0xffff  }
0x1e6: {  	v32 =	vadd.s32 v32, v19  }
0x1e7: {  	v29 =	vld.idx.msk [tilespmem:v29+s5+$0x0], $0xffff  }
0x1e8: {  	v14 =	vmul.f32 v28, v14;
	v15 =	vmul.f32 v28, v15;
	v28 =	vld.idx.msk [tilespmem:v30+s5+$0x0], $0xffff  }
0x1e9: {  	v30 =	vadd.s32 v40, v19;
	v40 =	vld [tilespmem:$0x1FC50]  }
0x1ea: {  	v12 =	vmul.f32 v17, v12;
	v13 =	vmul.f32 v17, v13;
	v17 =	vld.idx.msk [tilespmem:v31+s5+$0x0], $0xffff  }
0x1eb: {  	v31 =	vld.idx.msk [tilespmem:v32+s5+$0x0], $0xffff  }
0x1ec: {  	v14 =	vadd.f32 $0.0e+00, v14;
	v32 =	vld [tilespmem:$0x1FC60];
	_ =	sdelay $0x1  }
0x1ed: {  	v10 =	vmul.f32 v29, v10;
	v12 =	vadd.f32 v12, v14;
	v14 =	vadd.s32 v40, v19  }
0x1ee: {  	v9 =	vmul.f32 v28, v9;
	v8 =	vmul.f32 v28, v8;
	v28 =	vld [tilespmem:$0x1FC70]  }
0x1ef: {  	v40 =	vld.idx.msk [tilespmem:v30+s5+$0x0], $0xffff;
	v10 =	vadd.f32 v10, v12  }
0x1f0: {  	v15 =	vadd.f32 $0.0e+00, v15;
	v30 =	vadd.s32 v18, v19;
	v12 =	vadd.s32 v32, v19;
	v32 =	vld [tilespmem:$0x1FC80]  }
0x1f1: {  	v7 =	vmul.f32 v17, v7;
	v9 =	vadd.f32 v9, v10  }
0x1f2: {  	v11 =	vmul.f32 v29, v11;
	v13 =	vadd.f32 v13, v15;
	v29 =	vld.idx.msk [tilespmem:v14+s5+$0x0], $0xffff  }
0x1f3: {  	v15 =	vld [tilespmem:$0x1FCA0];
	v5 =	vmul.f32 v31, v5;
	v10 =	vadd.s32 v28, v19;
	v7 =	vadd.f32 v7, v9  }
0x1f4: {  	v11 =	vadd.f32 v11, v13;
	v28 =	vld [tilespmem:$0x1FCB0]  }
0x1f5: {  	v0 =	vmul.f32 v40, v0;
	v9 =	vld.idx.msk [tilespmem:v30+s5+$0x0], $0xffff;
	v5 =	vadd.f32 v5, v7;
	v7 =	vadd.s32 v32, v19  }
0x1f6: {  	v6 =	vmul.f32 v17, v6;
	v4 =	vmul.f32 v31, v4;
	v8 =	vadd.f32 v8, v11;
	v31 =	vld.idx.msk [tilespmem:v12+s5+$0x0], $0xffff  }
0x1f7: {  	v12 =	vld [tilespmem:$0x1FC90];
	v0 =	vadd.f32 v0, v5;
	v13 =	vmul.f32 v29, v62  }
0x1f8: {  	v1 =	vmul.f32 v40, v1;
	v6 =	vadd.f32 v6, v8;
	v40 =	vld.idx.msk [tilespmem:v10+s5+$0x0], $0xffff;
	v10 =	vadd.s32 v15, v19  }
0x1f9: {  	v0 =	vadd.f32 v13, v0;
	v13 =	vld [tilespmem:$0x1FCF0]  }
0x1fa: {  	v4 =	vadd.f32 v4, v6;
	v8 =	vadd.s32 v28, v19;
	v7 =	vld.idx.msk [tilespmem:v7+s5+$0x0], $0xffff  }
0x1fb: {  	v17 =	vmul.f32 v31, v60;
	v18 =	vmul.f32 v31, v61;
	v31 =	vld [tilespmem:$0x1FCC0]  }
0x1fc: {  	v1 =	vadd.f32 v1, v4;
	v14 =	vmul.f32 v29, v63;
	v5 =	vadd.s32 v12, v19;
	v61 =	vld [tilespmem:$0x1FCE0]  }
0x1fd: {  	v32 =	vmul.f32 v9, v56;
	v29 =	vmul.f32 v40, v58;
	v56 =	vld.idx.msk [tilespmem:v10+s5+$0x0], $0xffff  }
0x1fe: {  	v1 =	vadd.f32 v14, v1;
	v30 =	vmul.f32 v40, v59;
	v40 =	vmul.f32 v9, v57;
	v57 =	vld [tilespmem:$0x1FCD0]  }
0x1ff: {  	v60 =	vld.idx.msk [tilespmem:v8+s5+$0x0], $0xffff  }
0x200: {  	v1 =	vadd.f32 v18, v1;
	v18 =	vld [tilespmem:$0x1FD00]  }
0x201: {  	v5 =	vld.idx.msk [tilespmem:v5+s5+$0x0], $0xffff  }
0x202: {  	v6 =	vadd.s32 v31, v19;
	v31 =	vld [tilespmem:$0x1FD10]  }
0x203: {  	v59 =	vmul.f32 v7, v55;
	v55 =	vld [tilespmem:$0x1FD40]  }
0x204: {  	v8 =	vadd.s32 v61, v19;
	v61 =	vld [tilespmem:$0x1FE40]  }
0x205: {  	v1 =	vadd.f32 v30, v1;
	v15 =	vmul.f32 v56, v51;
	v51 =	vld [tilespmem:$0x1FD30]  }
0x206: {  	v0 =	vadd.f32 v17, v0;
	v14 =	vmul.f32 v56, v50;
	v56 =	vld [tilespmem:$0x1FE10]  }
0x207: {  	v10 =	vadd.s32 v57, v19;
	v1 =	vadd.f32 v40, v1;
	v57 =	vld [tilespmem:$0x1FE20]  }
0x208: {  	v0 =	vadd.f32 v29, v0;
	v28 =	vmul.f32 v60, v48;
	v29 =	vmul.f32 v60, v49;
	v60 =	vld [tilespmem:$0x1FE30]  }
0x209: {  	v1 =	vadd.f32 v59, v1;
	v59 =	vld [tilespmem:$0x1FD50]  }
0x20a: {  	v12 =	vld.idx.msk [tilespmem:v6+s5+$0x0], $0xffff  }
0x20b: {  	v30 =	vld.idx.msk [tilespmem:v8+s5+$0x0], $0xffff  }
0x20c: {  	v6 =	vadd.s32 v13, v19;
	v13 =	vld [tilespmem:$0x1FE60]  }
0x20d: {  	v63 =	vmul.f32 v5, v53;
	v8 =	vadd.s32 v31, v19;
	v31 =	vld [tilespmem:$0x1FEA0]  }
0x20e: {  	v17 =	vld.idx.msk [tilespmem:v10+s5+$0x0], $0xffff  }
0x20f: {  	v10 =	vadd.s32 v18, v19;
	v18 =	vld [tilespmem:$0x1FE80];
	v1 =	vadd.f32 v63, v1  }
0x210: {  	v63 =	vld [tilespmem:$0x1FD60]  }
0x211: {  	v1 =	vadd.f32 v15, v1;
	v15 =	vld [tilespmem:$0x1FD70]  }
0x212: {  	v0 =	vadd.f32 v32, v0;
	v32 =	vmul.f32 v12, v46;
	v46 =	vld.idx.msk [tilespmem:v6+s5+$0x0], $0xffff  }
0x213: {  	v40 =	vmul.f32 v12, v47;
	v47 =	vld [tilespmem:$0x1FD20]  }
0x214: {  	v58 =	vmul.f32 v7, v54;
	v54 =	vld.idx.msk [tilespmem:v8+s5+$0x0], $0xffff  }
0x215: {  	v62 =	vmul.f32 v5, v52;
	v12 =	vld [tilespmem:$0x1FE50]  }
0x216: {  	v52 =	vmul.f32 v30, v43;
	v53 =	vmul.f32 v30, v42;
	v30 =	vld [tilespmem:$0x1FE90]  }
0x217: {  	v42 =	vld [tilespmem:$0x1FEB0]  }
0x218: {  	v43 =	vld [tilespmem:$0x1FEC0]  }
0x219: {  	v8 =	vadd.s32 v55, v19;
	v55 =	vld [tilespmem:$0x1FF20]  }
0x21a: {  	v50 =	vld.idx.msk [tilespmem:v10+s5+$0x0], $0xffff  }
0x21b: {  	v0 =	vadd.f32 v58, v0;
	v48 =	vmul.f32 v17, v45;
	v49 =	vmul.f32 v17, v44;
	v17 =	vld [tilespmem:$0x1FE70]  }
0x21c: {  	v1 =	vadd.f32 v29, v1;
	v29 =	vld [tilespmem:$0x1FD80]  }
0x21d: {  	v0 =	vadd.f32 v62, v0;
	v45 =	vld [tilespmem:$0x1FDA0]  }
0x21e: {  	v10 =	vadd.s32 v51, v19;
	v51 =	vld [tilespmem:$0x1FF00]  }
0x21f: {  	v0 =	vadd.f32 v14, v0;
	v1 =	vadd.f32 v40, v1;
	v40 =	vld [tilespmem:$0x1FD90]  }
0x220: {  	v14 =	vld.idx.msk [tilespmem:v8+s5+$0x0], $0xffff  }
0x221: {  	v0 =	vadd.f32 v28, v0;
	v11 =	vmul.f32 v46, v56;
	v4 =	vmul.f32 v46, v57;
	v46 =	vld [tilespmem:$0x1FED0]  }
0x222: {  	v6 =	vadd.s32 v47, v19;
	v47 =	vld [tilespmem:$0x1FEE0]  }
0x223: {  	v0 =	vadd.f32 v32, v0;
	v1 =	vadd.f32 v49, v1;
	v49 =	vld [tilespmem:$0x1FDB0]  }
0x224: {  	v57 =	vld [tilespmem:$0x1FDD0]  }
0x225: {  	v0 =	vadd.f32 v48, v0;
	v8 =	vadd.s32 v15, v19;
	v15 =	vld [tilespmem:$0x1FF90]  }
0x226: {  	v62 =	vld.idx.msk [tilespmem:v10+s5+$0x0], $0xffff  }
0x227: {  	v10 =	vadd.s32 v63, v19;
	v63 =	vadd.f32 v25, v27;
	v25 =	vld [tilespmem:$0x1FF50];
	v0 =	vadd.f32 v52, v0  }
0x228: {  	v27 =	vld [tilespmem:$0x1FFA0];
	v1 =	vadd.f32 v53, v1  }
0x229: {  	v53 =	vld [tilespmem:$0x1FDC0];
	v0 =	vadd.f32 v11, v0  }
0x22a: {  	v11 =	vmul.f32 v50, v60;
	v1 =	vadd.f32 v4, v1;
	v4 =	vmul.f32 v50, v61;
	v50 =	vld [tilespmem:$0x1FEF0]  }
0x22b: {  	v58 =	vld.idx.msk [tilespmem:v6+s5+$0x0], $0xffff  }
0x22c: {  	v61 =	vld [tilespmem:$0x1FDE0];
	v6 =	vadd.s32 v59, v19  }
0x22d: {  	v44 =	vld.idx.msk [tilespmem:v8+s5+$0x0], $0xffff  }
0x22e: {  	v59 =	vld [tilespmem:$0x1FF80];
	v0 =	vadd.f32 v11, v0;
	v11 =	vmul.f32 v54, v12  }
0x22f: {  	v8 =	vadd.s32 v45, v19;
	v45 =	vld [tilespmem:$0x1FFD0];
	v1 =	vadd.f32 v4, v1;
	v4 =	vmul.f32 v54, v13  }
0x230: {  	v32 =	vld.idx.msk [tilespmem:v10+s5+$0x0], $0xffff;
	v0 =	vadd.f32 v11, v0;
	v11 =	vmul.f32 v58, v17  }
0x231: {  	v1 =	vadd.f32 v4, v1;
	v4 =	vmul.f32 v58, v18;
	v28 =	vld.idx.msk [tilespmem:v6+s5+$0x0], $0xffff  }
0x232: {  	v54 =	vld [tilespmem:$0x1FF10];
	v6 =	vadd.s32 v29, v19;
	v0 =	vadd.f32 v11, v0;
	v11 =	vmul.f32 v62, v30  }
0x233: {  	v10 =	vadd.s32 v40, v19;
	v40 =	vld [tilespmem:$0x1FF70];
	v1 =	vadd.f32 v4, v1;
	v4 =	vmul.f32 v62, v31  }
0x234: {  	v56 =	vld.idx.msk [tilespmem:v8+s5+$0x0], $0xffff;
	v0 =	vadd.f32 v11, v0;
	v11 =	vmul.f32 v14, v42  }
0x235: {  	v58 =	vld [tilespmem:$0x1FF30];
	v1 =	vadd.f32 v4, v1;
	v4 =	vmul.f32 v14, v43  }
0x236: {  	v18 =	vld [tilespmem:$0x1FDF0];
	v0 =	vadd.f32 v11, v0;
	v11 =	vmul.f32 v28, v46  }
0x237: {  	v48 =	vld.idx.msk [tilespmem:v6+s5+$0x0], $0xffff;
	v1 =	vadd.f32 v4, v1;
	v4 =	vmul.f32 v28, v47  }
0x238: {  	v52 =	vld.idx.msk [tilespmem:v10+s5+$0x0], $0xffff;
	v6 =	vadd.s32 v49, v19;
	v0 =	vadd.f32 v11, v0;
	v11 =	vmul.f32 v32, v50  }
0x239: {  	v62 =	vld [tilespmem:$0x1FF40];
	v1 =	vadd.f32 v4, v1;
	v4 =	vmul.f32 v32, v51  }
0x23a: {  	v29 =	vld [tilespmem:$0x1FE00];
	v10 =	vadd.s32 v53, v19;
	v0 =	vadd.f32 v11, v0;
	v11 =	vmul.f32 v44, v54  }
0x23b: {  	v8 =	vadd.s32 v57, v19;
	v30 =	vld [tilespmem:$0x1FF60];
	v1 =	vadd.f32 v4, v1;
	v4 =	vmul.f32 v44, v55  }
0x23c: {  	v31 =	vld [tilespmem:$0x1FFB0];
	v0 =	vadd.f32 v11, v0;
	v11 =	vmul.f32 v48, v58  }
0x23d: {  	v60 =	vld.idx.msk [tilespmem:v6+s5+$0x0], $0xffff;
	v1 =	vadd.f32 v4, v1;
	v4 =	vmul.f32 v48, v59  }
0x23e: {  	v42 =	vld [tilespmem:$0x1FFC0];
	v6 =	vadd.s32 v61, v19;
	v0 =	vadd.f32 v11, v0;
	v11 =	vmul.f32 v52, v62  }
0x23f: {  	v26 =	vadd.f32 v26, v24;
	v17 =	vld.idx.msk [tilespmem:v10+s5+$0x0], $0xffff;
	v1 =	vadd.f32 v4, v1;
	v4 =	vmul.f32 v52, v15  }
0x240: {  	v10 =	vadd.s32 v18, v19;
	v28 =	vld.idx.msk [tilespmem:v8+s5+$0x0], $0xffff;
	v0 =	vadd.f32 v11, v0;
	v11 =	vmul.f32 v56, v25  }
0x241: {  	v12 =	vadd.f32 v23, v63;
	v46 =	vld [tilespmem:$0x1FFF0];
	v1 =	vadd.f32 v4, v1;
	v4 =	vmul.f32 v56, v27  }
0x242: {  	v8 =	vadd.s32 v29, v19;
	v48 =	vld [tilespmem:$0x1FFE0];
	v0 =	vadd.f32 v11, v0;
	v11 =	vmul.f32 v60, v30  }
0x243: {  	v53 =	vmul.f32 v20, v37;
	v6 =	vld.idx.msk [tilespmem:v6+s5+$0x0], $0xffff;
	v1 =	vadd.f32 v4, v1;
	v4 =	vmul.f32 v60, v31  }
0x244: {  	v47 =	vmul.f32 v21, v39;
	v0 =	vadd.f32 v11, v0;
	v11 =	vmul.f32 v17, v40  }
0x245: {  	v32 =	vmul.f32 v22, v41;
	v43 =	vld.idx.msk [tilespmem:v10+s5+$0x0], $0xffff;
	v1 =	vadd.f32 v4, v1;
	v4 =	vmul.f32 v17, v42  }
0x246: {  	v50 =	vmul.f32 v20, v34;
	v0 =	vadd.f32 v11, v0;
	v11 =	vmul.f32 v28, v45  }
0x247: {  	v5 =	vadd.f32 v32, v26;
	v8 =	vld.idx.msk [tilespmem:v8+s5+$0x0], $0xffff;
	v1 =	vadd.f32 v4, v1;
	v4 =	vmul.f32 v28, v46  }
0x248: {  	v44 =	vmul.f32 v21, v38;
	v0 =	vadd.f32 v11, v0;
	v11 =	vmul.f32 v6, v48  }
0x249: {  	v5 =	vadd.f32 v47, v5;
	v49 =	vmul.f32 v6, v41;
	v1 =	vadd.f32 v4, v1  }
0x24a: {  	v10 =	vadd.f32 v44, v12;
	v51 =	vmul.f32 v43, v38;
	v0 =	vadd.f32 v11, v0  }
0x24b: {  	v5 =	vadd.f32 v53, v5;
	v52 =	vmul.f32 v43, v39;
	v1 =	vadd.f32 v49, v1  }
0x24c: {  	v54 =	vmul.f32 v8, v34;
	v6 =	vadd.f32 v50, v10;
	v0 =	vadd.f32 v51, v0  }
0x24d: {  	v55 =	vmul.f32 v8, v37;
	v57 =	vshrl.u32 v5, $0x10;
	v1 =	vadd.f32 v52, v1  }
0x24e: {  	v7 =	vand.u32 $0x1, v57;
	v56 =	vshrl.u32 v6, $0x10;
	v0 =	vadd.f32 v54, v0  }
0x24f: {  	v5 =	vadd.s32 v7, v5;
	v8 =	vand.u32 $0x1, v56;
	v1 =	vadd.f32 v55, v1  }
0x250: {  	v5 =	vadd.s32 $0x7FFF, v5;
	v6 =	vadd.s32 v8, v6;
	v58 =	vshrl.u32 v0, $0x10  }
0x251: {  	v6 =	vadd.s32 $0x7FFF, v6;
	v59 =	vshrl.u32 v1, $0x10;
	v4 =	vand.u32 $0x1, v58  }
0x252: {  	v6 =	vand.u32 $0xFFFF0000, v6;
	v0 =	vadd.s32 v4, v0;
	v4 =	vand.u32 $0x1, v59  }
0x253: {  	v60 =	vand.u32 $0xFFFF0000, v5;
	v61 =	vmul.f32 v6, v35;
	v1 =	vadd.s32 v4, v1  }
0x254: {  	v4 =	vmul.f32 v60, v36;
	v0 =	vadd.s32 $0x7FFF, v0;
	v1 =	vadd.s32 $0x7FFF, v1  }
0x255: {  	v0 =	vand.u32 $0xFFFF0000, v0;
	v1 =	vand.u32 $0xFFFF0000, v1  }
0x256: {  	v4 =	vadd.f32 v4, v61;
	v0 =	vmul.f32 v0, v35;
	v1 =	vmul.f32 v1, v36;
	_ =	sdelay $0x1  }
0x257: {  	vm0 =	vgt.f32 v4, v3;
	v0 =	vadd.f32 v1, v0  }
0x258: {  	v62 =	vsel vm0, v4, v3  }
0x259: {  	vm1 =	vgt.f32 v0, v62  }
0x25a: {  	v63 =	vor.u32 s18, v33;
	v2 =	vsel vm0, v16, v2;
	v0 =	vsel vm1, v0, v62  }
0x25b: {  	v1 =	vsel vm1, v63, v2;
	[tilespmem:$0x9180] =	vst v0  }
0x25c: {  	[tilespmem:$0x9200] =	vst v1  }
0x25d: {  	[hbm4b:s7+s5] =	stream.linear.scatter [tilespmem:s15], [sflag:$0x2], $0x80, $0x38;
	[tilespmem:$0x9280] =	vst v63  }
0x25e: {  	s17 =	sadd.s32 $0x1, s17;
	_ =	swait.ge [sflag:s11], $0x80  }
0x25f: {  	p0 =	sne.s32 s17, s9;
	[sflag:s11] =	ssyncset.done $0x0  }
.Ltmp2:
0x260: {  	[sflag:s11] =	ssyncadd.s32 $0xFFFFFF80;
	(pc) =	sbr.rel @p0 .LBB2_1-.Ltmp2, $4  }
0x261: {  	[hbm4b:s8+s5] =	stream.linear.scatter [tilespmem:s16], [sflag:$0x2], $0x80, $0x38;
	[tilespmem:$0x9280] =	vst v63  }
0x262: {  	_ =	swait.ge [sflag:s11], $0x80  }
0x263: {  	[sflag:s11] =	ssyncset.done $0x0  }
0x264: {  	[sflag:s11] =	ssyncadd.s32 $0xFFFFFF80  }
0x265: {  	_ =	sfence.sel $0x180000  }
0x266: {  	[bflag:$0x0] =	sbarrier.arrive $0xFFFF  }
0x267: {  	p0 =	sne.s32 s0, $0x0;
	_ =	strace $0x90000047  }
0x268: {  	s0 =	sadd.s32 @!p0 $0x100000, s3;
	[bflag:$0x2] =	sbarrier.arrive $0xFFFF  }
0x269: {  	[sflag:s0] =	ssyncadd.tile.s32 @!p0 $0x1;
	_ =	shalt  }
.Lfunc_end2:
_tile_overlayer_lowered:
.L_overlay_start_2:
0x26a: {  	(tag) =	ssettag $0x2  }
0x26b: {  	s0 =	rddreg [dreg:$0x0];
	s2 =	stileid.u32  }
0x26c: {  	s1 =	rddreg [dreg:$0x1];
	p0 =	sne.s32 s2, $0x0  }
0x26d: {  	s3 =	rddreg [dreg:$0x2];
	[bflag:$0x3] =	sbarrier.arrive $0xFFFF;
	s2 =	simm.s32 @!p0 $0x1C02  }
0x26e: {  	[timem:s3], [sflag:s2] =	dma.local @!p0 [hbm:s0], s1  }
0x26f: {  	s0 =	simm.s32 @!p0 $0x2  }
0x270: {  	_ =	swait.ge @!p0 [sflag:s0], s1  }
0x271: {  	s1 =	ssub.s32 @!p0 $0x0, s1;
	[sflag:s0] =	ssyncset.done @!p0 $0x0  }
0x272: {  	[sflag:s0] =	ssyncadd.s32 @!p0 s1  }
0x273: {  	[bflag:$0x3] =	sbarrier.arrive $0xFFFF  }
0x274: {  	_ =	shalt  }

</sc_bundles>
